<compile_context>
chip_gen: v7x
topology: tpu7x:2x2x1
jax: 0.10.2.dev20260603
libtpu: 0.0.44.dev20260713+nightly
codegen_flags: <defaults>
</compile_context>

<pallas_src>
import functools

import jax
import jax.numpy as jnp
from jax import lax
from jax.experimental import pallas as pl
from jax.experimental.pallas import tpu as pltpu
from jax.experimental.pallas import tpu_sc as plsc

F32 = jnp.float32
I32 = jnp.int32

NC = 2
NS = 16
NW = NC * NS

BM = 1024


def _pad_up(v, m):
    return (v + m - 1) // m * m



def _sc_mesh():
    return plsc.VectorSubcoreMesh(
        core_axis_name="c", subcore_axis_name="s", num_cores=NC, num_subcores=NS
    )


CH = 128


def _make_deg_kernel(npad, k):

    @functools.partial(
        pl.kernel,
        out_type=jax.ShapeDtypeStruct((NW, npad), F32),
        mesh=_sc_mesh(),
        scratch_types=[
            pltpu.VMEM((k, CH), I32),
            pltpu.VMEM((npad,), F32),
        ],
        compiler_params=pltpu.CompilerParams(needs_layout_passes=False),
    )
    def deg_kernel(dst_hbm, out_hbm, didx, dacc):
        cid = lax.axis_index("c")
        sid = lax.axis_index("s")
        wid = cid * NS + sid
        zero16 = jnp.zeros((16,), F32)

        def zbody(i, _):
            dacc[pl.ds(i * 16, 16)] = zero16
            return 0

        lax.fori_loop(0, npad // 16, zbody, 0)
        pltpu.sync_copy(dst_hbm.at[wid], didx)
        one16 = jnp.full((16,), 1.0, F32)

        def ebody(j, _):
            for i in range(CH // 16):
                idx = didx[j, pl.ds(i * 16, 16)]
                plsc.addupdate_scatter(dacc, [idx], one16)
            return 0

        lax.fori_loop(0, k, ebody, 0)
        pltpu.sync_copy(dacc, out_hbm.at[wid])

    return deg_kernel


def _make_agg_kernel(npad, k):
    rows_per_sub = npad // NS

    @functools.partial(
        pl.kernel,
        out_type=jax.ShapeDtypeStruct((NC, npad, 128), F32),
        mesh=_sc_mesh(),
        scratch_types=[
            pltpu.VMEM((k, CH), I32),
            pltpu.VMEM((k, CH), I32),
            pltpu.VMEM((CH, 128), F32),
            pltpu.VMEM_SHARED((npad, 128), F32),
            pltpu.SemaphoreType.DMA,
        ],
    )
    def agg_kernel(y_hbm, src_hbm, dst_hbm, zeros_hbm, out_hbm,
                   sidx, didx, rows, acc, sem):
        cid = lax.axis_index("c")
        sid = lax.axis_index("s")
        wid = cid * NS + sid
        pltpu.sync_copy(zeros_hbm, acc.at[pl.ds(sid * rows_per_sub, rows_per_sub)])
        pltpu.sync_copy(src_hbm.at[wid], sidx)
        pltpu.sync_copy(dst_hbm.at[wid], didx)
        plsc.subcore_barrier()

        def chunk(j, _):
            pltpu.async_copy(y_hbm.at[sidx.at[j]], rows, sem).wait()
            pltpu.sync_copy(rows, acc.at[didx.at[j]], add=True)
            return 0

        lax.fori_loop(0, k, chunk, 0)
        plsc.subcore_barrier()
        pltpu.sync_copy(
            acc.at[pl.ds(sid * rows_per_sub, rows_per_sub)],
            out_hbm.at[cid, pl.ds(sid * rows_per_sub, rows_per_sub)],
        )

    return agg_kernel



def _mm1_body(degp_ref, x_ref, w_ref, y_ref, dinv_ref):
    deg = jnp.sum(degp_ref[...], axis=0) + 1.0
    dinv = lax.rsqrt(deg)
    xw = jnp.dot(x_ref[...], w_ref[...], preferred_element_type=F32)
    y_ref[...] = xw * dinv[:, None]
    dinv_ref[...] = dinv


def _mmc_body(p_ref, y_ref, dinv_ref, w_ref, o_ref):
    dinv = dinv_ref[...][:, None]
    h = jnp.maximum((p_ref[0] + p_ref[1] + y_ref[...]) * dinv, 0.0)
    xw = jnp.dot(h, w_ref[...], preferred_element_type=F32)
    o_ref[...] = xw * dinv


def _pool_body(p_ref, y_ref, dinv_ref, batch_ref, gsum_ref, cnt_ref, *, G):
    i = pl.program_id(0)
    dinv = dinv_ref[...][:, None]
    h = jnp.maximum((p_ref[0] + p_ref[1] + y_ref[...]) * dinv, 0.0)
    b = batch_ref[...]
    onehot = (b[:, None] == lax.broadcasted_iota(I32, (1, G), 1)).astype(F32)
    gs = lax.dot_general(onehot, h, (((0,), (0,)), ((), ())),
                         preferred_element_type=F32,
                         precision=lax.Precision.HIGHEST)
    ones = jnp.ones((h.shape[0], 128), F32)
    cs = lax.dot_general(onehot, ones, (((0,), (0,)), ((), ())),
                         preferred_element_type=F32,
                         precision=lax.Precision.HIGHEST)

    @pl.when(i == 0)
    def _():
        gsum_ref[...] = gs
        cnt_ref[...] = cs

    @pl.when(i != 0)
    def _():
        gsum_ref[...] += gs
        cnt_ref[...] += cs


def _mlp_body(gsum_ref, cnt_ref, w1_ref, b1_ref, gam_ref, bet_ref, w2_ref, b2_ref,
              xlog_ref, xsig_ref, last_ref):
    cnt = jnp.maximum(cnt_ref[...], 1.0)
    g = gsum_ref[...] / cnt
    m = jnp.dot(g, w1_ref[...], preferred_element_type=F32) + b1_ref[...][None, :]
    mu = jnp.mean(m, axis=0, keepdims=True)
    var = jnp.mean((m - mu) * (m - mu), axis=0, keepdims=True)
    m = (m - mu) / jnp.sqrt(var + 1e-5) * gam_ref[...][None, :] + bet_ref[...][None, :]
    m = jnp.maximum(m, 0.0)
    out = jnp.dot(m, w2_ref[...], preferred_element_type=F32) + b2_ref[...][None, :]
    mx = jnp.max(out, axis=1, keepdims=True)
    lse = mx + jnp.log(jnp.sum(jnp.exp(out - mx), axis=1, keepdims=True))
    xlog_ref[...] = out - lse
    xsig_ref[...] = 1.0 / (1.0 + jnp.exp(-out))
    last_ref[...] = out



def kernel(x, edge_index, edge_weight, batch, W0, W1, W2,
           lin1_W, lin1_b, bn_gamma, bn_beta, lin2_W, lin2_b):
    del edge_weight
    n, d = x.shape
    e = edge_index.shape[1]
    h_dim = W0.shape[1]
    o_dim = lin2_W.shape[1]
    g_num = 128

    npad = _pad_up(n + 1, BM)
    ept = _pad_up(-(-e // NW), 8 * CH)
    k = ept // CH
    epad = NW * ept

    src = edge_index[0]
    dst = edge_index[1]
    pad_idx = (n + jnp.arange(epad - e, dtype=I32) % (npad - n)).astype(I32)
    srcp = jnp.concatenate([src, pad_idx]).reshape(NW, k, CH)
    dstp = jnp.concatenate([dst, pad_idx]).reshape(NW, k, CH)
    xp = jnp.pad(x, ((0, npad - n), (0, 0)))
    batchp = jnp.concatenate([batch, jnp.full((npad - n,), g_num, I32)])
    zeros2d = jnp.zeros((npad // NS, h_dim), F32)

    deg_call = _make_deg_kernel(npad, k)
    agg_call = _make_agg_kernel(npad, k)

    grid = npad // BM
    mm1 = pl.pallas_call(
        _mm1_body,
        grid=(grid,),
        in_specs=[
            pl.BlockSpec((NW, BM), lambda i: (0, i)),
            pl.BlockSpec((BM, d), lambda i: (i, 0)),
            pl.BlockSpec((d, h_dim), lambda i: (0, 0)),
        ],
        out_specs=[
            pl.BlockSpec((BM, h_dim), lambda i: (i, 0)),
            pl.BlockSpec((BM,), lambda i: (i,)),
        ],
        out_shape=[
            jax.ShapeDtypeStruct((npad, h_dim), F32),
            jax.ShapeDtypeStruct((npad,), F32),
        ],
    )
    mmc = pl.pallas_call(
        _mmc_body,
        grid=(grid,),
        in_specs=[
            pl.BlockSpec((NC, BM, h_dim), lambda i: (0, i, 0)),
            pl.BlockSpec((BM, h_dim), lambda i: (i, 0)),
            pl.BlockSpec((BM,), lambda i: (i,)),
            pl.BlockSpec((h_dim, h_dim), lambda i: (0, 0)),
        ],
        out_specs=pl.BlockSpec((BM, h_dim), lambda i: (i, 0)),
        out_shape=jax.ShapeDtypeStruct((npad, h_dim), F32),
    )
    pool = pl.pallas_call(
        functools.partial(_pool_body, G=g_num),
        grid=(grid,),
        in_specs=[
            pl.BlockSpec((NC, BM, h_dim), lambda i: (0, i, 0)),
            pl.BlockSpec((BM, h_dim), lambda i: (i, 0)),
            pl.BlockSpec((BM,), lambda i: (i,)),
            pl.BlockSpec((BM,), lambda i: (i,)),
        ],
        out_specs=[
            pl.BlockSpec((g_num, h_dim), lambda i: (0, 0)),
            pl.BlockSpec((g_num, 128), lambda i: (0, 0)),
        ],
        out_shape=[
            jax.ShapeDtypeStruct((g_num, h_dim), F32),
            jax.ShapeDtypeStruct((g_num, 128), F32),
        ],
    )
    mlp = pl.pallas_call(
        _mlp_body,
        out_shape=[
            jax.ShapeDtypeStruct((g_num, o_dim), F32),
            jax.ShapeDtypeStruct((g_num, o_dim), F32),
            jax.ShapeDtypeStruct((g_num, o_dim), F32),
        ],
    )

    degp = deg_call(dstp)
    y0, dinv = mm1(degp, xp, W0)
    p0 = agg_call(y0, srcp, dstp, zeros2d)
    y1 = mmc(p0, y0, dinv, W1)
    p1 = agg_call(y1, srcp, dstp, zeros2d)
    y2 = mmc(p1, y1, dinv, W2)
    p2 = agg_call(y2, srcp, dstp, zeros2d)
    gsum, cnt = pool(p2, y2, dinv, batchp)
    x_log, x_sig, last = mlp(gsum, cnt, lin1_W, lin1_b, bn_gamma, bn_beta,
                             lin2_W, lin2_b)
    return (x_log, x_sig, last)

# --- scband reference (transcript-rebuilt; emitter-appended) ---
"""Pipeline reference for scband-gcn-30580167148117 (READ-ONLY COPY).

The authoritative reference and input builder live on the scoring server;
editing this copy changes nothing except your own understanding.
"""

import jax, jax.numpy as jnp
import numpy as np

N = 10000
E = 320000
D = 128
H = 128
O = 64
G = 128


def setup_inputs(seed: int = 0) -> dict:
    key = jax.random.key(seed)
    ks = jax.random.split(key, 16)
    x = jax.random.normal(ks[0], (N, D), dtype=jnp.float32)
    edge_index = jax.random.randint(ks[1], (2, E), 0, N, dtype=jnp.int32)
    edge_weight = jax.random.uniform(ks[2], (E,), dtype=jnp.float32)
    batch = jnp.sort(jax.random.randint(ks[3], (N,), 0, G, dtype=jnp.int32))
    # GCNConv weights (bias=False), glorot-ish init
    W0 = jax.random.normal(ks[4], (D, H), dtype=jnp.float32) * (1.0 / np.sqrt(D))
    W1 = jax.random.normal(ks[5], (H, H), dtype=jnp.float32) * (1.0 / np.sqrt(H))
    W2 = jax.random.normal(ks[6], (H, H), dtype=jnp.float32) * (1.0 / np.sqrt(H))
    # MLP([H, H, O]) params: lin1 + batchnorm + relu, then plain lin2
    lin1_W = jax.random.normal(ks[7], (H, H), dtype=jnp.float32) * (1.0 / np.sqrt(H))
    lin1_b = jnp.zeros((H,), dtype=jnp.float32)
    bn_gamma = jnp.ones((H,), dtype=jnp.float32)
    bn_beta = jnp.zeros((H,), dtype=jnp.float32)
    lin2_W = jax.random.normal(ks[8], (H, O), dtype=jnp.float32) * (1.0 / np.sqrt(H))
    lin2_b = jnp.zeros((O,), dtype=jnp.float32)
    return {"x": x, "edge_index": edge_index, "edge_weight": edge_weight, "batch": batch,
            "W0": W0, "W1": W1, "W2": W2,
            "lin1_W": lin1_W, "lin1_b": lin1_b, "bn_gamma": bn_gamma, "bn_beta": bn_beta,
            "lin2_W": lin2_W, "lin2_b": lin2_b}


def _gcn_conv(x, edge_index, W):
    # GCNConv with add_self_loops=True, symmetric normalization, bias=False,
    # edge_weight=None (the module explicitly passes edge_weight=None).
    n = x.shape[0]
    src = edge_index[0]
    dst = edge_index[1]
    loop = jnp.arange(n, dtype=src.dtype)
    src2 = jnp.concatenate([src, loop])
    dst2 = jnp.concatenate([dst, loop])
    deg = jnp.zeros((n,), dtype=x.dtype).at[dst2].add(1.0)
    dinv = jnp.where(deg > 0, deg ** -0.5, 0.0)
    norm = dinv[src2] * dinv[dst2]
    xw = x @ W
    msg = jnp.take(xw, src2, axis=0) * norm[:, None]
    out = jax.ops.segment_sum(msg, dst2, num_segments=n)
    return out


def _global_mean_pool(x, batch, num_graphs):
    sums = jax.ops.segment_sum(x, batch, num_segments=num_graphs)
    cnt = jax.ops.segment_sum(jnp.ones((x.shape[0],), dtype=x.dtype), batch, num_segments=num_graphs)
    return sums / jnp.maximum(cnt, 1.0)[:, None]


def reference(x, edge_index, edge_weight, batch, W0, W1, W2, lin1_W, lin1_b, bn_gamma, bn_beta, lin2_W, lin2_b):
    h = x
    for W in (W0, W1, W2):
        h = _gcn_conv(h, edge_index, W)
        h = jax.nn.relu(h)
    g = _global_mean_pool(h, batch, G)
    # MLP: lin1 -> batch_norm (batch stats) -> relu -> (dropout: identity) -> lin2
    m = g @ lin1_W + lin1_b
    mu = jnp.mean(m, axis=0)
    var = jnp.var(m, axis=0)
    m = (m - mu) / jnp.sqrt(var + 1e-5) * bn_gamma + bn_beta
    m = jax.nn.relu(m)
    out = m @ lin2_W + lin2_b
    last = out
    x_log = jax.nn.log_softmax(out, axis=-1)
    x_sig = jax.nn.sigmoid(out)
    return (x_log, x_sig, last)

if __name__ == "__main__":
    import jax
    _d = setup_inputs()
    print(jax.jit(kernel)(*tuple(_d.values())))

</pallas_src>

<mosaic_0001>
#map = affine_map<(d0, d1) -> (0, 0)>
#map1 = affine_map<(d0, d1) -> (0, 0, 0)>
module attributes {stable_mosaic.version = 14 : i64} {
  func.func @agg_kernel(%arg0: i32, %arg1: i32, %arg2: memref<10240x128xf32, #tpu.memory_space<hbm>>, %arg3: memref<32x80x128xi32, #tpu.memory_space<hbm>>, %arg4: memref<32x80x128xi32, #tpu.memory_space<hbm>>, %arg5: memref<640x128xf32, #tpu.memory_space<hbm>>, %arg6: memref<2x10240x128xf32, #tpu.memory_space<hbm>>, %arg7: memref<80x128xi32, #tpu.memory_space<vmem>>, %arg8: memref<80x128xi32, #tpu.memory_space<vmem>>, %arg9: memref<128x128xf32, #tpu.memory_space<vmem>>, %arg10: memref<10240x128xf32, #tpu.memory_space<vmem_shared>>, %arg11: memref<!tpu.dma_semaphore, #tpu.memory_space<semaphore_mem>>) attributes {dimension_semantics = [#tpu.dimension_semantics<core_parallel>, #tpu.dimension_semantics<subcore_parallel>], iteration_bounds = array<i64: 2, 16>, scalar_prefetch = 0 : i64, scratch_operands = 5 : i64, tpu.core_type = #tpu.core_type<sc_vector_subcore>, window_params = [{transform_indices = #map}, {transform_indices = #map1}, {transform_indices = #map1}, {transform_indices = #map}, {transform_indices = #map1}]} {
    %mul3A = arith.constant 16 : i32
    %mul3A_0 = arith.muli %arg0, %mul3A : i32
    %add3A = arith.addi %mul3A_0, %arg1 : i32
    %mul3A_1 = arith.constant 640 : i32
    %mul3A_2 = arith.muli %arg1, %mul3A_1 : i32
    "tpu.region"() ({
      %run_scoped3A = tpu.sem_alloc : memref<!tpu.dma_semaphore, #tpu.memory_space<semaphore_mem>>
      %dma_start3A = arith.constant 0 : i32
      %dma_start3A_14 = tpu.memref_slice %arg10[%mul3A_2, %dma_start3A] : memref<10240x128xf32, #tpu.memory_space<vmem_shared>> -> memref<640x128xf32, #tpu.memory_space<vmem_shared>>
      tpu.enqueue_dma source(%arg5 : memref<640x128xf32, #tpu.memory_space<hbm>>) target(%dma_start3A_14 : memref<640x128xf32, #tpu.memory_space<vmem_shared>>) target_semaphore(%run_scoped3A : memref<!tpu.dma_semaphore, #tpu.memory_space<semaphore_mem>>)
      %dma_wait3A = arith.constant 0 : i32
      %dma_wait3A_15 = tpu.memref_slice %arg10[%mul3A_2, %dma_wait3A] : memref<10240x128xf32, #tpu.memory_space<vmem_shared>> -> memref<640x128xf32, #tpu.memory_space<vmem_shared>>
      tpu.wait_dma2 semaphore(%run_scoped3A : memref<!tpu.dma_semaphore, #tpu.memory_space<semaphore_mem>>) src(%arg5 : memref<640x128xf32, #tpu.memory_space<hbm>>) dst(%dma_wait3A_15 : memref<640x128xf32, #tpu.memory_space<vmem_shared>>)
      tpu.yield
    }) : () -> ()
    "tpu.region"() ({
      %run_scoped3A = tpu.sem_alloc : memref<!tpu.dma_semaphore, #tpu.memory_space<semaphore_mem>>
      %dma_start3A = arith.constant 0 : i32
      %dma_start3A_14 = arith.constant 0 : i32
      %dma_start3A_15 = tpu.memref_slice %arg3[%add3A, %dma_start3A, %dma_start3A_14] : memref<32x80x128xi32, #tpu.memory_space<hbm>> -> memref<1x80x128xi32, #tpu.memory_space<hbm>>
      %dma_start3A_16 = tpu.memref_squeeze %dma_start3A_15 : memref<1x80x128xi32, #tpu.memory_space<hbm>> -> memref<80x128xi32, #tpu.memory_space<hbm>>
      %dma_start3A_17 = arith.constant 0 : i32
      %dma_start3A_18 = arith.constant 0 : i32
      %dma_start3A_19 = tpu.memref_slice %arg3[%add3A, %dma_start3A_17, %dma_start3A_18] : memref<32x80x128xi32, #tpu.memory_space<hbm>> -> memref<1x80x128xi32, #tpu.memory_space<hbm>>
      %dma_start3A_20 = tpu.memref_squeeze %dma_start3A_19 : memref<1x80x128xi32, #tpu.memory_space<hbm>> -> memref<80x128xi32, #tpu.memory_space<hbm>>
      tpu.enqueue_dma source(%dma_start3A_20 : memref<80x128xi32, #tpu.memory_space<hbm>>) target(%arg7 : memref<80x128xi32, #tpu.memory_space<vmem>>) target_semaphore(%run_scoped3A : memref<!tpu.dma_semaphore, #tpu.memory_space<semaphore_mem>>)
      %dma_wait3A = arith.constant 0 : i32
      %dma_wait3A_21 = arith.constant 0 : i32
      %dma_wait3A_22 = tpu.memref_slice %arg3[%add3A, %dma_wait3A, %dma_wait3A_21] : memref<32x80x128xi32, #tpu.memory_space<hbm>> -> memref<1x80x128xi32, #tpu.memory_space<hbm>>
      %dma_wait3A_23 = tpu.memref_squeeze %dma_wait3A_22 : memref<1x80x128xi32, #tpu.memory_space<hbm>> -> memref<80x128xi32, #tpu.memory_space<hbm>>
      %dma_wait3A_24 = arith.constant 0 : i32
      %dma_wait3A_25 = arith.constant 0 : i32
      %dma_wait3A_26 = tpu.memref_slice %arg3[%add3A, %dma_wait3A_24, %dma_wait3A_25] : memref<32x80x128xi32, #tpu.memory_space<hbm>> -> memref<1x80x128xi32, #tpu.memory_space<hbm>>
      %dma_wait3A_27 = tpu.memref_squeeze %dma_wait3A_26 : memref<1x80x128xi32, #tpu.memory_space<hbm>> -> memref<80x128xi32, #tpu.memory_space<hbm>>
      tpu.wait_dma2 semaphore(%run_scoped3A : memref<!tpu.dma_semaphore, #tpu.memory_space<semaphore_mem>>) src(%dma_wait3A_27 : memref<80x128xi32, #tpu.memory_space<hbm>>) dst(%arg7 : memref<80x128xi32, #tpu.memory_space<vmem>>)
      tpu.yield
    }) : () -> ()
    "tpu.region"() ({
      %run_scoped3A = tpu.sem_alloc : memref<!tpu.dma_semaphore, #tpu.memory_space<semaphore_mem>>
      %dma_start3A = arith.constant 0 : i32
      %dma_start3A_14 = arith.constant 0 : i32
      %dma_start3A_15 = tpu.memref_slice %arg4[%add3A, %dma_start3A, %dma_start3A_14] : memref<32x80x128xi32, #tpu.memory_space<hbm>> -> memref<1x80x128xi32, #tpu.memory_space<hbm>>
      %dma_start3A_16 = tpu.memref_squeeze %dma_start3A_15 : memref<1x80x128xi32, #tpu.memory_space<hbm>> -> memref<80x128xi32, #tpu.memory_space<hbm>>
      %dma_start3A_17 = arith.constant 0 : i32
      %dma_start3A_18 = arith.constant 0 : i32
      %dma_start3A_19 = tpu.memref_slice %arg4[%add3A, %dma_start3A_17, %dma_start3A_18] : memref<32x80x128xi32, #tpu.memory_space<hbm>> -> memref<1x80x128xi32, #tpu.memory_space<hbm>>
      %dma_start3A_20 = tpu.memref_squeeze %dma_start3A_19 : memref<1x80x128xi32, #tpu.memory_space<hbm>> -> memref<80x128xi32, #tpu.memory_space<hbm>>
      tpu.enqueue_dma source(%dma_start3A_20 : memref<80x128xi32, #tpu.memory_space<hbm>>) target(%arg8 : memref<80x128xi32, #tpu.memory_space<vmem>>) target_semaphore(%run_scoped3A : memref<!tpu.dma_semaphore, #tpu.memory_space<semaphore_mem>>)
      %dma_wait3A = arith.constant 0 : i32
      %dma_wait3A_21 = arith.constant 0 : i32
      %dma_wait3A_22 = tpu.memref_slice %arg4[%add3A, %dma_wait3A, %dma_wait3A_21] : memref<32x80x128xi32, #tpu.memory_space<hbm>> -> memref<1x80x128xi32, #tpu.memory_space<hbm>>
      %dma_wait3A_23 = tpu.memref_squeeze %dma_wait3A_22 : memref<1x80x128xi32, #tpu.memory_space<hbm>> -> memref<80x128xi32, #tpu.memory_space<hbm>>
      %dma_wait3A_24 = arith.constant 0 : i32
      %dma_wait3A_25 = arith.constant 0 : i32
      %dma_wait3A_26 = tpu.memref_slice %arg4[%add3A, %dma_wait3A_24, %dma_wait3A_25] : memref<32x80x128xi32, #tpu.memory_space<hbm>> -> memref<1x80x128xi32, #tpu.memory_space<hbm>>
      %dma_wait3A_27 = tpu.memref_squeeze %dma_wait3A_26 : memref<1x80x128xi32, #tpu.memory_space<hbm>> -> memref<80x128xi32, #tpu.memory_space<hbm>>
      tpu.wait_dma2 semaphore(%run_scoped3A : memref<!tpu.dma_semaphore, #tpu.memory_space<semaphore_mem>>) src(%dma_wait3A_27 : memref<80x128xi32, #tpu.memory_space<hbm>>) dst(%arg8 : memref<80x128xi32, #tpu.memory_space<vmem>>)
      tpu.yield
    }) : () -> ()
    %barrier3A = arith.constant 0 : index
    tpu.barrier barrier_id(%barrier3A)
    %scan3A = arith.constant 0 : i32
    %scan3A_3 = arith.constant 0 : i32
    %scan3A_4 = arith.constant 80 : i32
    %scan3A_5 = arith.addi %scan3A_3, %scan3A_4 : i32
    %scan3A_6 = arith.constant 1 : i32
    %scan3A_7 = scf.for %scan3A_14 = %scan3A_3 to %scan3A_5 step %scan3A_6 iter_args(%scan3A_15 = %scan3A) -> (i32)  : i32 {
      %dma_start3A = arith.constant 0 : i32
      %dma_start3A_16 = tpu.memref_slice %arg7[%scan3A_14, %dma_start3A] : memref<80x128xi32, #tpu.memory_space<vmem>> -> memref<1x128xi32, #tpu.memory_space<vmem>>
      %dma_start3A_17 = tpu.memref_squeeze %dma_start3A_16 : memref<1x128xi32, #tpu.memory_space<vmem>> -> memref<128xi32, #tpu.memory_space<vmem>>
      %dma_start3A_18 = arith.constant 0 : i32
      %dma_start3A_19 = arith.constant 0 : i32
      %dma_start3A_20 = tpu.memref_slice %arg2[%dma_start3A_18, %dma_start3A_19] : memref<10240x128xf32, #tpu.memory_space<hbm>> -> memref<10240x128xf32, #tpu.memory_space<hbm>>
      tpu.enqueue_indirect_dma source(%dma_start3A_20 : memref<10240x128xf32, #tpu.memory_space<hbm>>) target(%arg9 : memref<128x128xf32, #tpu.memory_space<vmem>>) offsets(%dma_start3A_17 : memref<128xi32, #tpu.memory_space<vmem>>) semaphore(%arg11 : memref<!tpu.dma_semaphore, #tpu.memory_space<semaphore_mem>>)
      %dma_wait3A = arith.constant 0 : i32
      %dma_wait3A_21 = tpu.memref_slice %arg7[%scan3A_14, %dma_wait3A] : memref<80x128xi32, #tpu.memory_space<vmem>> -> memref<1x128xi32, #tpu.memory_space<vmem>>
      %dma_wait3A_22 = tpu.memref_squeeze %dma_wait3A_21 : memref<1x128xi32, #tpu.memory_space<vmem>> -> memref<128xi32, #tpu.memory_space<vmem>>
      %dma_wait3A_23 = arith.constant 0 : i32
      %dma_wait3A_24 = arith.constant 0 : i32
      %dma_wait3A_25 = tpu.memref_slice %arg2[%dma_wait3A_23, %dma_wait3A_24] : memref<10240x128xf32, #tpu.memory_space<hbm>> -> memref<10240x128xf32, #tpu.memory_space<hbm>>
      tpu.wait_indirect_dma semaphore(%arg11 : memref<!tpu.dma_semaphore, #tpu.memory_space<semaphore_mem>>) src(%dma_wait3A_25 : memref<10240x128xf32, #tpu.memory_space<hbm>>) dst(%arg9 : memref<128x128xf32, #tpu.memory_space<vmem>>)
      "tpu.region"() ({
        %run_scoped3A = tpu.sem_alloc : memref<!tpu.dma_semaphore, #tpu.memory_space<semaphore_mem>>
        %dma_start3A_27 = arith.constant 0 : i32
        %dma_start3A_28 = tpu.memref_slice %arg8[%scan3A_14, %dma_start3A_27] : memref<80x128xi32, #tpu.memory_space<vmem>> -> memref<1x128xi32, #tpu.memory_space<vmem>>
        %dma_start3A_29 = tpu.memref_squeeze %dma_start3A_28 : memref<1x128xi32, #tpu.memory_space<vmem>> -> memref<128xi32, #tpu.memory_space<vmem>>
        %dma_start3A_30 = arith.constant 0 : i32
        %dma_start3A_31 = arith.constant 0 : i32
        %dma_start3A_32 = tpu.memref_slice %arg10[%dma_start3A_30, %dma_start3A_31] : memref<10240x128xf32, #tpu.memory_space<vmem_shared>> -> memref<10240x128xf32, #tpu.memory_space<vmem_shared>>
        tpu.enqueue_indirect_dma source(%arg9 : memref<128x128xf32, #tpu.memory_space<vmem>>) target(%dma_start3A_32 : memref<10240x128xf32, #tpu.memory_space<vmem_shared>>) offsets(%dma_start3A_29 : memref<128xi32, #tpu.memory_space<vmem>>) semaphore(%run_scoped3A : memref<!tpu.dma_semaphore, #tpu.memory_space<semaphore_mem>>) {add = true}
        %dma_wait3A_33 = arith.constant 0 : i32
        %dma_wait3A_34 = tpu.memref_slice %arg8[%scan3A_14, %dma_wait3A_33] : memref<80x128xi32, #tpu.memory_space<vmem>> -> memref<1x128xi32, #tpu.memory_space<vmem>>
        %dma_wait3A_35 = tpu.memref_squeeze %dma_wait3A_34 : memref<1x128xi32, #tpu.memory_space<vmem>> -> memref<128xi32, #tpu.memory_space<vmem>>
        %dma_wait3A_36 = arith.constant 0 : i32
        %dma_wait3A_37 = arith.constant 0 : i32
        %dma_wait3A_38 = tpu.memref_slice %arg10[%dma_wait3A_36, %dma_wait3A_37] : memref<10240x128xf32, #tpu.memory_space<vmem_shared>> -> memref<10240x128xf32, #tpu.memory_space<vmem_shared>>
        tpu.wait_indirect_dma semaphore(%run_scoped3A : memref<!tpu.dma_semaphore, #tpu.memory_space<semaphore_mem>>) src(%arg9 : memref<128x128xf32, #tpu.memory_space<vmem>>) dst(%dma_wait3A_38 : memref<10240x128xf32, #tpu.memory_space<vmem_shared>>)
        tpu.yield
      }) : () -> ()
      %scan3A_26 = arith.constant 0 : i32
      scf.yield %scan3A_26 : i32
    }
    %scan3A_8 = arith.constant 80 : i32
    %barrier3A_9 = arith.constant 0 : index
    tpu.barrier barrier_id(%barrier3A_9)
    %mul3A_10 = arith.constant 640 : i32
    %mul3A_11 = arith.muli %arg1, %mul3A_10 : i32
    %mul3A_12 = arith.constant 640 : i32
    %mul3A_13 = arith.muli %arg1, %mul3A_12 : i32
    "tpu.region"() ({
      %run_scoped3A = tpu.sem_alloc : memref<!tpu.dma_semaphore, #tpu.memory_space<semaphore_mem>>
      %dma_start3A = arith.constant 0 : i32
      %dma_start3A_14 = tpu.memref_slice %arg6[%arg0, %mul3A_13, %dma_start3A] : memref<2x10240x128xf32, #tpu.memory_space<hbm>> -> memref<1x640x128xf32, #tpu.memory_space<hbm>>
      %dma_start3A_15 = tpu.memref_squeeze %dma_start3A_14 : memref<1x640x128xf32, #tpu.memory_space<hbm>> -> memref<640x128xf32, #tpu.memory_space<hbm>>
      %dma_start3A_16 = arith.constant 0 : i32
      %dma_start3A_17 = tpu.memref_slice %arg10[%mul3A_11, %dma_start3A_16] : memref<10240x128xf32, #tpu.memory_space<vmem_shared>> -> memref<640x128xf32, #tpu.memory_space<vmem_shared>>
      tpu.enqueue_dma source(%dma_start3A_17 : memref<640x128xf32, #tpu.memory_space<vmem_shared>>) target(%dma_start3A_15 : memref<640x128xf32, #tpu.memory_space<hbm>>) target_semaphore(%run_scoped3A : memref<!tpu.dma_semaphore, #tpu.memory_space<semaphore_mem>>)
      %dma_wait3A = arith.constant 0 : i32
      %dma_wait3A_18 = tpu.memref_slice %arg6[%arg0, %mul3A_13, %dma_wait3A] : memref<2x10240x128xf32, #tpu.memory_space<hbm>> -> memref<1x640x128xf32, #tpu.memory_space<hbm>>
      %dma_wait3A_19 = tpu.memref_squeeze %dma_wait3A_18 : memref<1x640x128xf32, #tpu.memory_space<hbm>> -> memref<640x128xf32, #tpu.memory_space<hbm>>
      %dma_wait3A_20 = arith.constant 0 : i32
      %dma_wait3A_21 = tpu.memref_slice %arg10[%mul3A_11, %dma_wait3A_20] : memref<10240x128xf32, #tpu.memory_space<vmem_shared>> -> memref<640x128xf32, #tpu.memory_space<vmem_shared>>
      tpu.wait_dma2 semaphore(%run_scoped3A : memref<!tpu.dma_semaphore, #tpu.memory_space<semaphore_mem>>) src(%dma_wait3A_21 : memref<640x128xf32, #tpu.memory_space<vmem_shared>>) dst(%dma_wait3A_19 : memref<640x128xf32, #tpu.memory_space<hbm>>)
      tpu.yield
    }) : () -> ()
    return
  }
}

#map = affine_map<(d0, d1) -> (0, 0, 0)>
#map1 = affine_map<(d0, d1) -> (0, 0)>
module attributes {stable_mosaic.version = 14 : i64} {
  func.func @deg_kernel(%arg0: i32, %arg1: i32, %arg2: memref<32x80x128xi32, #tpu.memory_space<hbm>>, %arg3: memref<32x10240xf32, #tpu.memory_space<hbm>>, %arg4: memref<80x128xi32, #tpu.memory_space<vmem>>, %arg5: memref<10240xf32, #tpu.memory_space<vmem>>) attributes {dimension_semantics = [#tpu.dimension_semantics<core_parallel>, #tpu.dimension_semantics<subcore_parallel>], iteration_bounds = array<i64: 2, 16>, scalar_prefetch = 0 : i64, scratch_operands = 2 : i64, tpu.core_type = #tpu.core_type<sc_vector_subcore>, window_params = [{transform_indices = #map}, {transform_indices = #map1}]} {
    %mul3A = arith.constant 16 : i32
    %mul3A_0 = arith.muli %arg0, %mul3A : i32
    %add3A = arith.addi %mul3A_0, %arg1 : i32
    %broadcast_in_dim3A = arith.constant 0.000000e+00 : f32
    %broadcast_in_dim3A_1 = vector.broadcast %broadcast_in_dim3A : f32 to vector<16xf32>
    %scan3A = arith.constant 0 : i32
    %scan3A_2 = arith.constant 0 : i32
    %scan3A_3 = arith.constant 640 : i32
    %scan3A_4 = arith.addi %scan3A_2, %scan3A_3 : i32
    %scan3A_5 = arith.constant 1 : i32
    %scan3A_6 = scf.for %scan3A_17 = %scan3A_2 to %scan3A_4 step %scan3A_5 iter_args(%scan3A_18 = %scan3A) -> (i32)  : i32 {
      %mul3A_19 = arith.constant 16 : i32
      %mul3A_20 = arith.muli %scan3A_17, %mul3A_19 : i32
      %swap3A = arith.index_cast %mul3A_20 : i32 to index
      %swap3A_21 = tpu.vector_load %arg5[%swap3A] {strides = array<i32>} : memref<10240xf32, #tpu.memory_space<vmem>>, vector<16xf32>,
      tpu.vector_store %arg5[%swap3A], %broadcast_in_dim3A_1 {strides = array<i32>} : memref<10240xf32, #tpu.memory_space<vmem>>, vector<16xf32>,
      %scan3A_22 = arith.constant 0 : i32
      scf.yield %scan3A_22 : i32
    }
    %scan3A_7 = arith.constant 640 : i32
    "tpu.region"() ({
      %run_scoped3A = tpu.sem_alloc : memref<!tpu.dma_semaphore, #tpu.memory_space<semaphore_mem>>
      %dma_start3A = arith.constant 0 : i32
      %dma_start3A_17 = arith.constant 0 : i32
      %dma_start3A_18 = tpu.memref_slice %arg2[%add3A, %dma_start3A, %dma_start3A_17] : memref<32x80x128xi32, #tpu.memory_space<hbm>> -> memref<1x80x128xi32, #tpu.memory_space<hbm>>
      %dma_start3A_19 = tpu.memref_squeeze %dma_start3A_18 : memref<1x80x128xi32, #tpu.memory_space<hbm>> -> memref<80x128xi32, #tpu.memory_space<hbm>>
      %dma_start3A_20 = arith.constant 0 : i32
      %dma_start3A_21 = arith.constant 0 : i32
      %dma_start3A_22 = tpu.memref_slice %arg2[%add3A, %dma_start3A_20, %dma_start3A_21] : memref<32x80x128xi32, #tpu.memory_space<hbm>> -> memref<1x80x128xi32, #tpu.memory_space<hbm>>
      %dma_start3A_23 = tpu.memref_squeeze %dma_start3A_22 : memref<1x80x128xi32, #tpu.memory_space<hbm>> -> memref<80x128xi32, #tpu.memory_space<hbm>>
      tpu.enqueue_dma source(%dma_start3A_23 : memref<80x128xi32, #tpu.memory_space<hbm>>) target(%arg4 : memref<80x128xi32, #tpu.memory_space<vmem>>) target_semaphore(%run_scoped3A : memref<!tpu.dma_semaphore, #tpu.memory_space<semaphore_mem>>)
      %dma_wait3A = arith.constant 0 : i32
      %dma_wait3A_24 = arith.constant 0 : i32
      %dma_wait3A_25 = tpu.memref_slice %arg2[%add3A, %dma_wait3A, %dma_wait3A_24] : memref<32x80x128xi32, #tpu.memory_space<hbm>> -> memref<1x80x128xi32, #tpu.memory_space<hbm>>
      %dma_wait3A_26 = tpu.memref_squeeze %dma_wait3A_25 : memref<1x80x128xi32, #tpu.memory_space<hbm>> -> memref<80x128xi32, #tpu.memory_space<hbm>>
      %dma_wait3A_27 = arith.constant 0 : i32
      %dma_wait3A_28 = arith.constant 0 : i32
      %dma_wait3A_29 = tpu.memref_slice %arg2[%add3A, %dma_wait3A_27, %dma_wait3A_28] : memref<32x80x128xi32, #tpu.memory_space<hbm>> -> memref<1x80x128xi32, #tpu.memory_space<hbm>>
      %dma_wait3A_30 = tpu.memref_squeeze %dma_wait3A_29 : memref<1x80x128xi32, #tpu.memory_space<hbm>> -> memref<80x128xi32, #tpu.memory_space<hbm>>
      tpu.wait_dma2 semaphore(%run_scoped3A : memref<!tpu.dma_semaphore, #tpu.memory_space<semaphore_mem>>) src(%dma_wait3A_30 : memref<80x128xi32, #tpu.memory_space<hbm>>) dst(%arg4 : memref<80x128xi32, #tpu.memory_space<vmem>>)
      tpu.yield
    }) : () -> ()
    %broadcast_in_dim3A_8 = arith.constant 1.000000e+00 : f32
    %broadcast_in_dim3A_9 = vector.broadcast %broadcast_in_dim3A_8 : f32 to vector<16xf32>
    %scan3A_10 = arith.constant 0 : i32
    %scan3A_11 = arith.constant 0 : i32
    %scan3A_12 = arith.constant 80 : i32
    %scan3A_13 = arith.addi %scan3A_11, %scan3A_12 : i32
    %scan3A_14 = arith.constant 1 : i32
    %scan3A_15 = scf.for %scan3A_17 = %scan3A_11 to %scan3A_13 step %scan3A_14 iter_args(%scan3A_18 = %scan3A_10) -> (i32)  : i32 {
      %get3A = arith.index_cast %scan3A_17 : i32 to index
      %get3A_19 = arith.constant 0 : index
      %get3A_20 = tpu.vector_load %arg4[%get3A, %get3A_19] {strides = array<i32>} : memref<80x128xi32, #tpu.memory_space<vmem>>, vector<16xi32>,
      tpu.vector_store_idx %arg5[%get3A_20], %broadcast_in_dim3A_9 {add = true} : memref<10240xf32, #tpu.memory_space<vmem>>[vector<16xi32>], vector<16xf32>,
      %get3A_21 = arith.index_cast %scan3A_17 : i32 to index
      %get3A_22 = arith.constant 16 : index
      %get3A_23 = tpu.vector_load %arg4[%get3A_21, %get3A_22] {strides = array<i32>} : memref<80x128xi32, #tpu.memory_space<vmem>>, vector<16xi32>,
      tpu.vector_store_idx %arg5[%get3A_23], %broadcast_in_dim3A_9 {add = true} : memref<10240xf32, #tpu.memory_space<vmem>>[vector<16xi32>], vector<16xf32>,
      %get3A_24 = arith.index_cast %scan3A_17 : i32 to index
      %get3A_25 = arith.constant 32 : index
      %get3A_26 = tpu.vector_load %arg4[%get3A_24, %get3A_25] {strides = array<i32>} : memref<80x128xi32, #tpu.memory_space<vmem>>, vector<16xi32>,
      tpu.vector_store_idx %arg5[%get3A_26], %broadcast_in_dim3A_9 {add = true} : memref<10240xf32, #tpu.memory_space<vmem>>[vector<16xi32>], vector<16xf32>,
      %get3A_27 = arith.index_cast %scan3A_17 : i32 to index
      %get3A_28 = arith.constant 48 : index
      %get3A_29 = tpu.vector_load %arg4[%get3A_27, %get3A_28] {strides = array<i32>} : memref<80x128xi32, #tpu.memory_space<vmem>>, vector<16xi32>,
      tpu.vector_store_idx %arg5[%get3A_29], %broadcast_in_dim3A_9 {add = true} : memref<10240xf32, #tpu.memory_space<vmem>>[vector<16xi32>], vector<16xf32>,
      %get3A_30 = arith.index_cast %scan3A_17 : i32 to index
      %get3A_31 = arith.constant 64 : index
      %get3A_32 = tpu.vector_load %arg4[%get3A_30, %get3A_31] {strides = array<i32>} : memref<80x128xi32, #tpu.memory_space<vmem>>, vector<16xi32>,
      tpu.vector_store_idx %arg5[%get3A_32], %broadcast_in_dim3A_9 {add = true} : memref<10240xf32, #tpu.memory_space<vmem>>[vector<16xi32>], vector<16xf32>,
      %get3A_33 = arith.index_cast %scan3A_17 : i32 to index
      %get3A_34 = arith.constant 80 : index
      %get3A_35 = tpu.vector_load %arg4[%get3A_33, %get3A_34] {strides = array<i32>} : memref<80x128xi32, #tpu.memory_space<vmem>>, vector<16xi32>,
      tpu.vector_store_idx %arg5[%get3A_35], %broadcast_in_dim3A_9 {add = true} : memref<10240xf32, #tpu.memory_space<vmem>>[vector<16xi32>], vector<16xf32>,
      %get3A_36 = arith.index_cast %scan3A_17 : i32 to index
      %get3A_37 = arith.constant 96 : index
      %get3A_38 = tpu.vector_load %arg4[%get3A_36, %get3A_37] {strides = array<i32>} : memref<80x128xi32, #tpu.memory_space<vmem>>, vector<16xi32>,
      tpu.vector_store_idx %arg5[%get3A_38], %broadcast_in_dim3A_9 {add = true} : memref<10240xf32, #tpu.memory_space<vmem>>[vector<16xi32>], vector<16xf32>,
      %get3A_39 = arith.index_cast %scan3A_17 : i32 to index
      %get3A_40 = arith.constant 112 : index
      %get3A_41 = tpu.vector_load %arg4[%get3A_39, %get3A_40] {strides = array<i32>} : memref<80x128xi32, #tpu.memory_space<vmem>>, vector<16xi32>,
      tpu.vector_store_idx %arg5[%get3A_41], %broadcast_in_dim3A_9 {add = true} : memref<10240xf32, #tpu.memory_space<vmem>>[vector<16xi32>], vector<16xf32>,
      %scan3A_42 = arith.constant 0 : i32
      scf.yield %scan3A_42 : i32
    }
    %scan3A_16 = arith.constant 80 : i32
    "tpu.region"() ({
      %run_scoped3A = tpu.sem_alloc : memref<!tpu.dma_semaphore, #tpu.memory_space<semaphore_mem>>
      %dma_start3A = arith.constant 0 : i32
      %dma_start3A_17 = tpu.memref_slice %arg3[%add3A, %dma_start3A] : memref<32x10240xf32, #tpu.memory_space<hbm>> -> memref<1x10240xf32, #tpu.memory_space<hbm>>
      %dma_start3A_18 = tpu.memref_squeeze %dma_start3A_17 : memref<1x10240xf32, #tpu.memory_space<hbm>> -> memref<10240xf32, #tpu.memory_space<hbm>>
      %dma_start3A_19 = arith.constant 0 : i32
      %dma_start3A_20 = tpu.memref_slice %arg3[%add3A, %dma_start3A_19] : memref<32x10240xf32, #tpu.memory_space<hbm>> -> memref<1x10240xf32, #tpu.memory_space<hbm>>
      %dma_start3A_21 = tpu.memref_squeeze %dma_start3A_20 : memref<1x10240xf32, #tpu.memory_space<hbm>> -> memref<10240xf32, #tpu.memory_space<hbm>>
      tpu.enqueue_dma source(%arg5 : memref<10240xf32, #tpu.memory_space<vmem>>) target(%dma_start3A_21 : memref<10240xf32, #tpu.memory_space<hbm>>) target_semaphore(%run_scoped3A : memref<!tpu.dma_semaphore, #tpu.memory_space<semaphore_mem>>)
      %dma_wait3A = arith.constant 0 : i32
      %dma_wait3A_22 = tpu.memref_slice %arg3[%add3A, %dma_wait3A] : memref<32x10240xf32, #tpu.memory_space<hbm>> -> memref<1x10240xf32, #tpu.memory_space<hbm>>
      %dma_wait3A_23 = tpu.memref_squeeze %dma_wait3A_22 : memref<1x10240xf32, #tpu.memory_space<hbm>> -> memref<10240xf32, #tpu.memory_space<hbm>>
      %dma_wait3A_24 = arith.constant 0 : i32
      %dma_wait3A_25 = tpu.memref_slice %arg3[%add3A, %dma_wait3A_24] : memref<32x10240xf32, #tpu.memory_space<hbm>> -> memref<1x10240xf32, #tpu.memory_space<hbm>>
      %dma_wait3A_26 = tpu.memref_squeeze %dma_wait3A_25 : memref<1x10240xf32, #tpu.memory_space<hbm>> -> memref<10240xf32, #tpu.memory_space<hbm>>
      tpu.wait_dma2 semaphore(%run_scoped3A : memref<!tpu.dma_semaphore, #tpu.memory_space<semaphore_mem>>) src(%arg5 : memref<10240xf32, #tpu.memory_space<vmem>>) dst(%dma_wait3A_26 : memref<10240xf32, #tpu.memory_space<hbm>>)
      tpu.yield
    }) : () -> ()
    return
  }
}

#map = affine_map<(d0, d1) -> (0, 0)>
#map1 = affine_map<(d0, d1) -> (0, 0, 0)>
module attributes {stable_mosaic.version = 14 : i64} {
  func.func @agg_kernel(%arg0: i32, %arg1: i32, %arg2: memref<10240x128xf32, #tpu.memory_space<hbm>>, %arg3: memref<32x80x128xi32, #tpu.memory_space<hbm>>, %arg4: memref<32x80x128xi32, #tpu.memory_space<hbm>>, %arg5: memref<640x128xf32, #tpu.memory_space<hbm>>, %arg6: memref<2x10240x128xf32, #tpu.memory_space<hbm>>, %arg7: memref<80x128xi32, #tpu.memory_space<vmem>>, %arg8: memref<80x128xi32, #tpu.memory_space<vmem>>, %arg9: memref<128x128xf32, #tpu.memory_space<vmem>>, %arg10: memref<10240x128xf32, #tpu.memory_space<vmem_shared>>, %arg11: memref<!tpu.dma_semaphore, #tpu.memory_space<semaphore_mem>>) attributes {dimension_semantics = [#tpu.dimension_semantics<core_parallel>, #tpu.dimension_semantics<subcore_parallel>], iteration_bounds = array<i64: 2, 16>, scalar_prefetch = 0 : i64, scratch_operands = 5 : i64, tpu.core_type = #tpu.core_type<sc_vector_subcore>, window_params = [{transform_indices = #map}, {transform_indices = #map1}, {transform_indices = #map1}, {transform_indices = #map}, {transform_indices = #map1}]} {
    %mul3A = arith.constant 16 : i32
    %mul3A_0 = arith.muli %arg0, %mul3A : i32
    %add3A = arith.addi %mul3A_0, %arg1 : i32
    %mul3A_1 = arith.constant 640 : i32
    %mul3A_2 = arith.muli %arg1, %mul3A_1 : i32
    "tpu.region"() ({
      %run_scoped3A = tpu.sem_alloc : memref<!tpu.dma_semaphore, #tpu.memory_space<semaphore_mem>>
      %dma_start3A = arith.constant 0 : i32
      %dma_start3A_14 = tpu.memref_slice %arg10[%mul3A_2, %dma_start3A] : memref<10240x128xf32, #tpu.memory_space<vmem_shared>> -> memref<640x128xf32, #tpu.memory_space<vmem_shared>>
      tpu.enqueue_dma source(%arg5 : memref<640x128xf32, #tpu.memory_space<hbm>>) target(%dma_start3A_14 : memref<640x128xf32, #tpu.memory_space<vmem_shared>>) target_semaphore(%run_scoped3A : memref<!tpu.dma_semaphore, #tpu.memory_space<semaphore_mem>>)
      %dma_wait3A = arith.constant 0 : i32
      %dma_wait3A_15 = tpu.memref_slice %arg10[%mul3A_2, %dma_wait3A] : memref<10240x128xf32, #tpu.memory_space<vmem_shared>> -> memref<640x128xf32, #tpu.memory_space<vmem_shared>>
      tpu.wait_dma2 semaphore(%run_scoped3A : memref<!tpu.dma_semaphore, #tpu.memory_space<semaphore_mem>>) src(%arg5 : memref<640x128xf32, #tpu.memory_space<hbm>>) dst(%dma_wait3A_15 : memref<640x128xf32, #tpu.memory_space<vmem_shared>>)
      tpu.yield
    }) : () -> ()
    "tpu.region"() ({
      %run_scoped3A = tpu.sem_alloc : memref<!tpu.dma_semaphore, #tpu.memory_space<semaphore_mem>>
      %dma_start3A = arith.constant 0 : i32
      %dma_start3A_14 = arith.constant 0 : i32
      %dma_start3A_15 = tpu.memref_slice %arg3[%add3A, %dma_start3A, %dma_start3A_14] : memref<32x80x128xi32, #tpu.memory_space<hbm>> -> memref<1x80x128xi32, #tpu.memory_space<hbm>>
      %dma_start3A_16 = tpu.memref_squeeze %dma_start3A_15 : memref<1x80x128xi32, #tpu.memory_space<hbm>> -> memref<80x128xi32, #tpu.memory_space<hbm>>
      %dma_start3A_17 = arith.constant 0 : i32
      %dma_start3A_18 = arith.constant 0 : i32
      %dma_start3A_19 = tpu.memref_slice %arg3[%add3A, %dma_start3A_17, %dma_start3A_18] : memref<32x80x128xi32, #tpu.memory_space<hbm>> -> memref<1x80x128xi32, #tpu.memory_space<hbm>>
      %dma_start3A_20 = tpu.memref_squeeze %dma_start3A_19 : memref<1x80x128xi32, #tpu.memory_space<hbm>> -> memref<80x128xi32, #tpu.memory_space<hbm>>
      tpu.enqueue_dma source(%dma_start3A_20 : memref<80x128xi32, #tpu.memory_space<hbm>>) target(%arg7 : memref<80x128xi32, #tpu.memory_space<vmem>>) target_semaphore(%run_scoped3A : memref<!tpu.dma_semaphore, #tpu.memory_space<semaphore_mem>>)
      %dma_wait3A = arith.constant 0 : i32
      %dma_wait3A_21 = arith.constant 0 : i32
      %dma_wait3A_22 = tpu.memref_slice %arg3[%add3A, %dma_wait3A, %dma_wait3A_21] : memref<32x80x128xi32, #tpu.memory_space<hbm>> -> memref<1x80x128xi32, #tpu.memory_space<hbm>>
      %dma_wait3A_23 = tpu.memref_squeeze %dma_wait3A_22 : memref<1x80x128xi32, #tpu.memory_space<hbm>> -> memref<80x128xi32, #tpu.memory_space<hbm>>
      %dma_wait3A_24 = arith.constant 0 : i32
      %dma_wait3A_25 = arith.constant 0 : i32
      %dma_wait3A_26 = tpu.memref_slice %arg3[%add3A, %dma_wait3A_24, %dma_wait3A_25] : memref<32x80x128xi32, #tpu.memory_space<hbm>> -> memref<1x80x128xi32, #tpu.memory_space<hbm>>
      %dma_wait3A_27 = tpu.memref_squeeze %dma_wait3A_26 : memref<1x80x128xi32, #tpu.memory_space<hbm>> -> memref<80x128xi32, #tpu.memory_space<hbm>>
      tpu.wait_dma2 semaphore(%run_scoped3A : memref<!tpu.dma_semaphore, #tpu.memory_space<semaphore_mem>>) src(%dma_wait3A_27 : memref<80x128xi32, #tpu.memory_space<hbm>>) dst(%arg7 : memref<80x128xi32, #tpu.memory_space<vmem>>)
      tpu.yield
    }) : () -> ()
    "tpu.region"() ({
      %run_scoped3A = tpu.sem_alloc : memref<!tpu.dma_semaphore, #tpu.memory_space<semaphore_mem>>
      %dma_start3A = arith.constant 0 : i32
      %dma_start3A_14 = arith.constant 0 : i32
      %dma_start3A_15 = tpu.memref_slice %arg4[%add3A, %dma_start3A, %dma_start3A_14] : memref<32x80x128xi32, #tpu.memory_space<hbm>> -> memref<1x80x128xi32, #tpu.memory_space<hbm>>
      %dma_start3A_16 = tpu.memref_squeeze %dma_start3A_15 : memref<1x80x128xi32, #tpu.memory_space<hbm>> -> memref<80x128xi32, #tpu.memory_space<hbm>>
      %dma_start3A_17 = arith.constant 0 : i32
      %dma_start3A_18 = arith.constant 0 : i32
      %dma_start3A_19 = tpu.memref_slice %arg4[%add3A, %dma_start3A_17, %dma_start3A_18] : memref<32x80x128xi32, #tpu.memory_space<hbm>> -> memref<1x80x128xi32, #tpu.memory_space<hbm>>
      %dma_start3A_20 = tpu.memref_squeeze %dma_start3A_19 : memref<1x80x128xi32, #tpu.memory_space<hbm>> -> memref<80x128xi32, #tpu.memory_space<hbm>>
      tpu.enqueue_dma source(%dma_start3A_20 : memref<80x128xi32, #tpu.memory_space<hbm>>) target(%arg8 : memref<80x128xi32, #tpu.memory_space<vmem>>) target_semaphore(%run_scoped3A : memref<!tpu.dma_semaphore, #tpu.memory_space<semaphore_mem>>)
      %dma_wait3A = arith.constant 0 : i32
      %dma_wait3A_21 = arith.constant 0 : i32
      %dma_wait3A_22 = tpu.memref_slice %arg4[%add3A, %dma_wait3A, %dma_wait3A_21] : memref<32x80x128xi32, #tpu.memory_space<hbm>> -> memref<1x80x128xi32, #tpu.memory_space<hbm>>
      %dma_wait3A_23 = tpu.memref_squeeze %dma_wait3A_22 : memref<1x80x128xi32, #tpu.memory_space<hbm>> -> memref<80x128xi32, #tpu.memory_space<hbm>>
      %dma_wait3A_24 = arith.constant 0 : i32
      %dma_wait3A_25 = arith.constant 0 : i32
      %dma_wait3A_26 = tpu.memref_slice %arg4[%add3A, %dma_wait3A_24, %dma_wait3A_25] : memref<32x80x128xi32, #tpu.memory_space<hbm>> -> memref<1x80x128xi32, #tpu.memory_space<hbm>>
      %dma_wait3A_27 = tpu.memref_squeeze %dma_wait3A_26 : memref<1x80x128xi32, #tpu.memory_space<hbm>> -> memref<80x128xi32, #tpu.memory_space<hbm>>
      tpu.wait_dma2 semaphore(%run_scoped3A : memref<!tpu.dma_semaphore, #tpu.memory_space<semaphore_mem>>) src(%dma_wait3A_27 : memref<80x128xi32, #tpu.memory_space<hbm>>) dst(%arg8 : memref<80x128xi32, #tpu.memory_space<vmem>>)
      tpu.yield
    }) : () -> ()
    %barrier3A = arith.constant 0 : index
    tpu.barrier barrier_id(%barrier3A)
    %scan3A = arith.constant 0 : i32
    %scan3A_3 = arith.constant 0 : i32
    %scan3A_4 = arith.constant 80 : i32
    %scan3A_5 = arith.addi %scan3A_3, %scan3A_4 : i32
    %scan3A_6 = arith.constant 1 : i32
    %scan3A_7 = scf.for %scan3A_14 = %scan3A_3 to %scan3A_5 step %scan3A_6 iter_args(%scan3A_15 = %scan3A) -> (i32)  : i32 {
      %dma_start3A = arith.constant 0 : i32
      %dma_start3A_16 = tpu.memref_slice %arg7[%scan3A_14, %dma_start3A] : memref<80x128xi32, #tpu.memory_space<vmem>> -> memref<1x128xi32, #tpu.memory_space<vmem>>
      %dma_start3A_17 = tpu.memref_squeeze %dma_start3A_16 : memref<1x128xi32, #tpu.memory_space<vmem>> -> memref<128xi32, #tpu.memory_space<vmem>>
      %dma_start3A_18 = arith.constant 0 : i32
      %dma_start3A_19 = arith.constant 0 : i32
      %dma_start3A_20 = tpu.memref_slice %arg2[%dma_start3A_18, %dma_start3A_19] : memref<10240x128xf32, #tpu.memory_space<hbm>> -> memref<10240x128xf32, #tpu.memory_space<hbm>>
      tpu.enqueue_indirect_dma source(%dma_start3A_20 : memref<10240x128xf32, #tpu.memory_space<hbm>>) target(%arg9 : memref<128x128xf32, #tpu.memory_space<vmem>>) offsets(%dma_start3A_17 : memref<128xi32, #tpu.memory_space<vmem>>) semaphore(%arg11 : memref<!tpu.dma_semaphore, #tpu.memory_space<semaphore_mem>>)
      %dma_wait3A = arith.constant 0 : i32
      %dma_wait3A_21 = tpu.memref_slice %arg7[%scan3A_14, %dma_wait3A] : memref<80x128xi32, #tpu.memory_space<vmem>> -> memref<1x128xi32, #tpu.memory_space<vmem>>
      %dma_wait3A_22 = tpu.memref_squeeze %dma_wait3A_21 : memref<1x128xi32, #tpu.memory_space<vmem>> -> memref<128xi32, #tpu.memory_space<vmem>>
      %dma_wait3A_23 = arith.constant 0 : i32
      %dma_wait3A_24 = arith.constant 0 : i32
      %dma_wait3A_25 = tpu.memref_slice %arg2[%dma_wait3A_23, %dma_wait3A_24] : memref<10240x128xf32, #tpu.memory_space<hbm>> -> memref<10240x128xf32, #tpu.memory_space<hbm>>
      tpu.wait_indirect_dma semaphore(%arg11 : memref<!tpu.dma_semaphore, #tpu.memory_space<semaphore_mem>>) src(%dma_wait3A_25 : memref<10240x128xf32, #tpu.memory_space<hbm>>) dst(%arg9 : memref<128x128xf32, #tpu.memory_space<vmem>>)
      "tpu.region"() ({
        %run_scoped3A = tpu.sem_alloc : memref<!tpu.dma_semaphore, #tpu.memory_space<semaphore_mem>>
        %dma_start3A_27 = arith.constant 0 : i32
        %dma_start3A_28 = tpu.memref_slice %arg8[%scan3A_14, %dma_start3A_27] : memref<80x128xi32, #tpu.memory_space<vmem>> -> memref<1x128xi32, #tpu.memory_space<vmem>>
        %dma_start3A_29 = tpu.memref_squeeze %dma_start3A_28 : memref<1x128xi32, #tpu.memory_space<vmem>> -> memref<128xi32, #tpu.memory_space<vmem>>
        %dma_start3A_30 = arith.constant 0 : i32
        %dma_start3A_31 = arith.constant 0 : i32
        %dma_start3A_32 = tpu.memref_slice %arg10[%dma_start3A_30, %dma_start3A_31] : memref<10240x128xf32, #tpu.memory_space<vmem_shared>> -> memref<10240x128xf32, #tpu.memory_space<vmem_shared>>
        tpu.enqueue_indirect_dma source(%arg9 : memref<128x128xf32, #tpu.memory_space<vmem>>) target(%dma_start3A_32 : memref<10240x128xf32, #tpu.memory_space<vmem_shared>>) offsets(%dma_start3A_29 : memref<128xi32, #tpu.memory_space<vmem>>) semaphore(%run_scoped3A : memref<!tpu.dma_semaphore, #tpu.memory_space<semaphore_mem>>) {add = true}
        %dma_wait3A_33 = arith.constant 0 : i32
        %dma_wait3A_34 = tpu.memref_slice %arg8[%scan3A_14, %dma_wait3A_33] : memref<80x128xi32, #tpu.memory_space<vmem>> -> memref<1x128xi32, #tpu.memory_space<vmem>>
        %dma_wait3A_35 = tpu.memref_squeeze %dma_wait3A_34 : memref<1x128xi32, #tpu.memory_space<vmem>> -> memref<128xi32, #tpu.memory_space<vmem>>
        %dma_wait3A_36 = arith.constant 0 : i32
        %dma_wait3A_37 = arith.constant 0 : i32
        %dma_wait3A_38 = tpu.memref_slice %arg10[%dma_wait3A_36, %dma_wait3A_37] : memref<10240x128xf32, #tpu.memory_space<vmem_shared>> -> memref<10240x128xf32, #tpu.memory_space<vmem_shared>>
        tpu.wait_indirect_dma semaphore(%run_scoped3A : memref<!tpu.dma_semaphore, #tpu.memory_space<semaphore_mem>>) src(%arg9 : memref<128x128xf32, #tpu.memory_space<vmem>>) dst(%dma_wait3A_38 : memref<10240x128xf32, #tpu.memory_space<vmem_shared>>)
        tpu.yield
      }) : () -> ()
      %scan3A_26 = arith.constant 0 : i32
      scf.yield %scan3A_26 : i32
    }
    %scan3A_8 = arith.constant 80 : i32
    %barrier3A_9 = arith.constant 0 : index
    tpu.barrier barrier_id(%barrier3A_9)
    %mul3A_10 = arith.constant 640 : i32
    %mul3A_11 = arith.muli %arg1, %mul3A_10 : i32
    %mul3A_12 = arith.constant 640 : i32
    %mul3A_13 = arith.muli %arg1, %mul3A_12 : i32
    "tpu.region"() ({
      %run_scoped3A = tpu.sem_alloc : memref<!tpu.dma_semaphore, #tpu.memory_space<semaphore_mem>>
      %dma_start3A = arith.constant 0 : i32
      %dma_start3A_14 = tpu.memref_slice %arg6[%arg0, %mul3A_13, %dma_start3A] : memref<2x10240x128xf32, #tpu.memory_space<hbm>> -> memref<1x640x128xf32, #tpu.memory_space<hbm>>
      %dma_start3A_15 = tpu.memref_squeeze %dma_start3A_14 : memref<1x640x128xf32, #tpu.memory_space<hbm>> -> memref<640x128xf32, #tpu.memory_space<hbm>>
      %dma_start3A_16 = arith.constant 0 : i32
      %dma_start3A_17 = tpu.memref_slice %arg10[%mul3A_11, %dma_start3A_16] : memref<10240x128xf32, #tpu.memory_space<vmem_shared>> -> memref<640x128xf32, #tpu.memory_space<vmem_shared>>
      tpu.enqueue_dma source(%dma_start3A_17 : memref<640x128xf32, #tpu.memory_space<vmem_shared>>) target(%dma_start3A_15 : memref<640x128xf32, #tpu.memory_space<hbm>>) target_semaphore(%run_scoped3A : memref<!tpu.dma_semaphore, #tpu.memory_space<semaphore_mem>>)
      %dma_wait3A = arith.constant 0 : i32
      %dma_wait3A_18 = tpu.memref_slice %arg6[%arg0, %mul3A_13, %dma_wait3A] : memref<2x10240x128xf32, #tpu.memory_space<hbm>> -> memref<1x640x128xf32, #tpu.memory_space<hbm>>
      %dma_wait3A_19 = tpu.memref_squeeze %dma_wait3A_18 : memref<1x640x128xf32, #tpu.memory_space<hbm>> -> memref<640x128xf32, #tpu.memory_space<hbm>>
      %dma_wait3A_20 = arith.constant 0 : i32
      %dma_wait3A_21 = tpu.memref_slice %arg10[%mul3A_11, %dma_wait3A_20] : memref<10240x128xf32, #tpu.memory_space<vmem_shared>> -> memref<640x128xf32, #tpu.memory_space<vmem_shared>>
      tpu.wait_dma2 semaphore(%run_scoped3A : memref<!tpu.dma_semaphore, #tpu.memory_space<semaphore_mem>>) src(%dma_wait3A_21 : memref<640x128xf32, #tpu.memory_space<vmem_shared>>) dst(%dma_wait3A_19 : memref<640x128xf32, #tpu.memory_space<hbm>>)
      tpu.yield
    }) : () -> ()
    return
  }
}

#map = affine_map<(d0, d1) -> (0, 0)>
#map1 = affine_map<(d0, d1) -> (0, 0, 0)>
module attributes {stable_mosaic.version = 14 : i64} {
  func.func @agg_kernel(%arg0: i32, %arg1: i32, %arg2: memref<10240x128xf32, #tpu.memory_space<hbm>>, %arg3: memref<32x80x128xi32, #tpu.memory_space<hbm>>, %arg4: memref<32x80x128xi32, #tpu.memory_space<hbm>>, %arg5: memref<640x128xf32, #tpu.memory_space<hbm>>, %arg6: memref<2x10240x128xf32, #tpu.memory_space<hbm>>, %arg7: memref<80x128xi32, #tpu.memory_space<vmem>>, %arg8: memref<80x128xi32, #tpu.memory_space<vmem>>, %arg9: memref<128x128xf32, #tpu.memory_space<vmem>>, %arg10: memref<10240x128xf32, #tpu.memory_space<vmem_shared>>, %arg11: memref<!tpu.dma_semaphore, #tpu.memory_space<semaphore_mem>>) attributes {dimension_semantics = [#tpu.dimension_semantics<core_parallel>, #tpu.dimension_semantics<subcore_parallel>], iteration_bounds = array<i64: 2, 16>, scalar_prefetch = 0 : i64, scratch_operands = 5 : i64, tpu.core_type = #tpu.core_type<sc_vector_subcore>, window_params = [{transform_indices = #map}, {transform_indices = #map1}, {transform_indices = #map1}, {transform_indices = #map}, {transform_indices = #map1}]} {
    %mul3A = arith.constant 16 : i32
    %mul3A_0 = arith.muli %arg0, %mul3A : i32
    %add3A = arith.addi %mul3A_0, %arg1 : i32
    %mul3A_1 = arith.constant 640 : i32
    %mul3A_2 = arith.muli %arg1, %mul3A_1 : i32
    "tpu.region"() ({
      %run_scoped3A = tpu.sem_alloc : memref<!tpu.dma_semaphore, #tpu.memory_space<semaphore_mem>>
      %dma_start3A = arith.constant 0 : i32
      %dma_start3A_14 = tpu.memref_slice %arg10[%mul3A_2, %dma_start3A] : memref<10240x128xf32, #tpu.memory_space<vmem_shared>> -> memref<640x128xf32, #tpu.memory_space<vmem_shared>>
      tpu.enqueue_dma source(%arg5 : memref<640x128xf32, #tpu.memory_space<hbm>>) target(%dma_start3A_14 : memref<640x128xf32, #tpu.memory_space<vmem_shared>>) target_semaphore(%run_scoped3A : memref<!tpu.dma_semaphore, #tpu.memory_space<semaphore_mem>>)
      %dma_wait3A = arith.constant 0 : i32
      %dma_wait3A_15 = tpu.memref_slice %arg10[%mul3A_2, %dma_wait3A] : memref<10240x128xf32, #tpu.memory_space<vmem_shared>> -> memref<640x128xf32, #tpu.memory_space<vmem_shared>>
      tpu.wait_dma2 semaphore(%run_scoped3A : memref<!tpu.dma_semaphore, #tpu.memory_space<semaphore_mem>>) src(%arg5 : memref<640x128xf32, #tpu.memory_space<hbm>>) dst(%dma_wait3A_15 : memref<640x128xf32, #tpu.memory_space<vmem_shared>>)
      tpu.yield
    }) : () -> ()
    "tpu.region"() ({
      %run_scoped3A = tpu.sem_alloc : memref<!tpu.dma_semaphore, #tpu.memory_space<semaphore_mem>>
      %dma_start3A = arith.constant 0 : i32
      %dma_start3A_14 = arith.constant 0 : i32
      %dma_start3A_15 = tpu.memref_slice %arg3[%add3A, %dma_start3A, %dma_start3A_14] : memref<32x80x128xi32, #tpu.memory_space<hbm>> -> memref<1x80x128xi32, #tpu.memory_space<hbm>>
      %dma_start3A_16 = tpu.memref_squeeze %dma_start3A_15 : memref<1x80x128xi32, #tpu.memory_space<hbm>> -> memref<80x128xi32, #tpu.memory_space<hbm>>
      %dma_start3A_17 = arith.constant 0 : i32
      %dma_start3A_18 = arith.constant 0 : i32
      %dma_start3A_19 = tpu.memref_slice %arg3[%add3A, %dma_start3A_17, %dma_start3A_18] : memref<32x80x128xi32, #tpu.memory_space<hbm>> -> memref<1x80x128xi32, #tpu.memory_space<hbm>>
      %dma_start3A_20 = tpu.memref_squeeze %dma_start3A_19 : memref<1x80x128xi32, #tpu.memory_space<hbm>> -> memref<80x128xi32, #tpu.memory_space<hbm>>
      tpu.enqueue_dma source(%dma_start3A_20 : memref<80x128xi32, #tpu.memory_space<hbm>>) target(%arg7 : memref<80x128xi32, #tpu.memory_space<vmem>>) target_semaphore(%run_scoped3A : memref<!tpu.dma_semaphore, #tpu.memory_space<semaphore_mem>>)
      %dma_wait3A = arith.constant 0 : i32
      %dma_wait3A_21 = arith.constant 0 : i32
      %dma_wait3A_22 = tpu.memref_slice %arg3[%add3A, %dma_wait3A, %dma_wait3A_21] : memref<32x80x128xi32, #tpu.memory_space<hbm>> -> memref<1x80x128xi32, #tpu.memory_space<hbm>>
      %dma_wait3A_23 = tpu.memref_squeeze %dma_wait3A_22 : memref<1x80x128xi32, #tpu.memory_space<hbm>> -> memref<80x128xi32, #tpu.memory_space<hbm>>
      %dma_wait3A_24 = arith.constant 0 : i32
      %dma_wait3A_25 = arith.constant 0 : i32
      %dma_wait3A_26 = tpu.memref_slice %arg3[%add3A, %dma_wait3A_24, %dma_wait3A_25] : memref<32x80x128xi32, #tpu.memory_space<hbm>> -> memref<1x80x128xi32, #tpu.memory_space<hbm>>
      %dma_wait3A_27 = tpu.memref_squeeze %dma_wait3A_26 : memref<1x80x128xi32, #tpu.memory_space<hbm>> -> memref<80x128xi32, #tpu.memory_space<hbm>>
      tpu.wait_dma2 semaphore(%run_scoped3A : memref<!tpu.dma_semaphore, #tpu.memory_space<semaphore_mem>>) src(%dma_wait3A_27 : memref<80x128xi32, #tpu.memory_space<hbm>>) dst(%arg7 : memref<80x128xi32, #tpu.memory_space<vmem>>)
      tpu.yield
    }) : () -> ()
    "tpu.region"() ({
      %run_scoped3A = tpu.sem_alloc : memref<!tpu.dma_semaphore, #tpu.memory_space<semaphore_mem>>
      %dma_start3A = arith.constant 0 : i32
      %dma_start3A_14 = arith.constant 0 : i32
      %dma_start3A_15 = tpu.memref_slice %arg4[%add3A, %dma_start3A, %dma_start3A_14] : memref<32x80x128xi32, #tpu.memory_space<hbm>> -> memref<1x80x128xi32, #tpu.memory_space<hbm>>
      %dma_start3A_16 = tpu.memref_squeeze %dma_start3A_15 : memref<1x80x128xi32, #tpu.memory_space<hbm>> -> memref<80x128xi32, #tpu.memory_space<hbm>>
      %dma_start3A_17 = arith.constant 0 : i32
      %dma_start3A_18 = arith.constant 0 : i32
      %dma_start3A_19 = tpu.memref_slice %arg4[%add3A, %dma_start3A_17, %dma_start3A_18] : memref<32x80x128xi32, #tpu.memory_space<hbm>> -> memref<1x80x128xi32, #tpu.memory_space<hbm>>
      %dma_start3A_20 = tpu.memref_squeeze %dma_start3A_19 : memref<1x80x128xi32, #tpu.memory_space<hbm>> -> memref<80x128xi32, #tpu.memory_space<hbm>>
      tpu.enqueue_dma source(%dma_start3A_20 : memref<80x128xi32, #tpu.memory_space<hbm>>) target(%arg8 : memref<80x128xi32, #tpu.memory_space<vmem>>) target_semaphore(%run_scoped3A : memref<!tpu.dma_semaphore, #tpu.memory_space<semaphore_mem>>)
      %dma_wait3A = arith.constant 0 : i32
      %dma_wait3A_21 = arith.constant 0 : i32
      %dma_wait3A_22 = tpu.memref_slice %arg4[%add3A, %dma_wait3A, %dma_wait3A_21] : memref<32x80x128xi32, #tpu.memory_space<hbm>> -> memref<1x80x128xi32, #tpu.memory_space<hbm>>
      %dma_wait3A_23 = tpu.memref_squeeze %dma_wait3A_22 : memref<1x80x128xi32, #tpu.memory_space<hbm>> -> memref<80x128xi32, #tpu.memory_space<hbm>>
      %dma_wait3A_24 = arith.constant 0 : i32
      %dma_wait3A_25 = arith.constant 0 : i32
      %dma_wait3A_26 = tpu.memref_slice %arg4[%add3A, %dma_wait3A_24, %dma_wait3A_25] : memref<32x80x128xi32, #tpu.memory_space<hbm>> -> memref<1x80x128xi32, #tpu.memory_space<hbm>>
      %dma_wait3A_27 = tpu.memref_squeeze %dma_wait3A_26 : memref<1x80x128xi32, #tpu.memory_space<hbm>> -> memref<80x128xi32, #tpu.memory_space<hbm>>
      tpu.wait_dma2 semaphore(%run_scoped3A : memref<!tpu.dma_semaphore, #tpu.memory_space<semaphore_mem>>) src(%dma_wait3A_27 : memref<80x128xi32, #tpu.memory_space<hbm>>) dst(%arg8 : memref<80x128xi32, #tpu.memory_space<vmem>>)
      tpu.yield
    }) : () -> ()
    %barrier3A = arith.constant 0 : index
    tpu.barrier barrier_id(%barrier3A)
    %scan3A = arith.constant 0 : i32
    %scan3A_3 = arith.constant 0 : i32
    %scan3A_4 = arith.constant 80 : i32
    %scan3A_5 = arith.addi %scan3A_3, %scan3A_4 : i32
    %scan3A_6 = arith.constant 1 : i32
    %scan3A_7 = scf.for %scan3A_14 = %scan3A_3 to %scan3A_5 step %scan3A_6 iter_args(%scan3A_15 = %scan3A) -> (i32)  : i32 {
      %dma_start3A = arith.constant 0 : i32
      %dma_start3A_16 = tpu.memref_slice %arg7[%scan3A_14, %dma_start3A] : memref<80x128xi32, #tpu.memory_space<vmem>> -> memref<1x128xi32, #tpu.memory_space<vmem>>
      %dma_start3A_17 = tpu.memref_squeeze %dma_start3A_16 : memref<1x128xi32, #tpu.memory_space<vmem>> -> memref<128xi32, #tpu.memory_space<vmem>>
      %dma_start3A_18 = arith.constant 0 : i32
      %dma_start3A_19 = arith.constant 0 : i32
      %dma_start3A_20 = tpu.memref_slice %arg2[%dma_start3A_18, %dma_start3A_19] : memref<10240x128xf32, #tpu.memory_space<hbm>> -> memref<10240x128xf32, #tpu.memory_space<hbm>>
      tpu.enqueue_indirect_dma source(%dma_start3A_20 : memref<10240x128xf32, #tpu.memory_space<hbm>>) target(%arg9 : memref<128x128xf32, #tpu.memory_space<vmem>>) offsets(%dma_start3A_17 : memref<128xi32, #tpu.memory_space<vmem>>) semaphore(%arg11 : memref<!tpu.dma_semaphore, #tpu.memory_space<semaphore_mem>>)
      %dma_wait3A = arith.constant 0 : i32
      %dma_wait3A_21 = tpu.memref_slice %arg7[%scan3A_14, %dma_wait3A] : memref<80x128xi32, #tpu.memory_space<vmem>> -> memref<1x128xi32, #tpu.memory_space<vmem>>
      %dma_wait3A_22 = tpu.memref_squeeze %dma_wait3A_21 : memref<1x128xi32, #tpu.memory_space<vmem>> -> memref<128xi32, #tpu.memory_space<vmem>>
      %dma_wait3A_23 = arith.constant 0 : i32
      %dma_wait3A_24 = arith.constant 0 : i32
      %dma_wait3A_25 = tpu.memref_slice %arg2[%dma_wait3A_23, %dma_wait3A_24] : memref<10240x128xf32, #tpu.memory_space<hbm>> -> memref<10240x128xf32, #tpu.memory_space<hbm>>
      tpu.wait_indirect_dma semaphore(%arg11 : memref<!tpu.dma_semaphore, #tpu.memory_space<semaphore_mem>>) src(%dma_wait3A_25 : memref<10240x128xf32, #tpu.memory_space<hbm>>) dst(%arg9 : memref<128x128xf32, #tpu.memory_space<vmem>>)
      "tpu.region"() ({
        %run_scoped3A = tpu.sem_alloc : memref<!tpu.dma_semaphore, #tpu.memory_space<semaphore_mem>>
        %dma_start3A_27 = arith.constant 0 : i32
        %dma_start3A_28 = tpu.memref_slice %arg8[%scan3A_14, %dma_start3A_27] : memref<80x128xi32, #tpu.memory_space<vmem>> -> memref<1x128xi32, #tpu.memory_space<vmem>>
        %dma_start3A_29 = tpu.memref_squeeze %dma_start3A_28 : memref<1x128xi32, #tpu.memory_space<vmem>> -> memref<128xi32, #tpu.memory_space<vmem>>
        %dma_start3A_30 = arith.constant 0 : i32
        %dma_start3A_31 = arith.constant 0 : i32
        %dma_start3A_32 = tpu.memref_slice %arg10[%dma_start3A_30, %dma_start3A_31] : memref<10240x128xf32, #tpu.memory_space<vmem_shared>> -> memref<10240x128xf32, #tpu.memory_space<vmem_shared>>
        tpu.enqueue_indirect_dma source(%arg9 : memref<128x128xf32, #tpu.memory_space<vmem>>) target(%dma_start3A_32 : memref<10240x128xf32, #tpu.memory_space<vmem_shared>>) offsets(%dma_start3A_29 : memref<128xi32, #tpu.memory_space<vmem>>) semaphore(%run_scoped3A : memref<!tpu.dma_semaphore, #tpu.memory_space<semaphore_mem>>) {add = true}
        %dma_wait3A_33 = arith.constant 0 : i32
        %dma_wait3A_34 = tpu.memref_slice %arg8[%scan3A_14, %dma_wait3A_33] : memref<80x128xi32, #tpu.memory_space<vmem>> -> memref<1x128xi32, #tpu.memory_space<vmem>>
        %dma_wait3A_35 = tpu.memref_squeeze %dma_wait3A_34 : memref<1x128xi32, #tpu.memory_space<vmem>> -> memref<128xi32, #tpu.memory_space<vmem>>
        %dma_wait3A_36 = arith.constant 0 : i32
        %dma_wait3A_37 = arith.constant 0 : i32
        %dma_wait3A_38 = tpu.memref_slice %arg10[%dma_wait3A_36, %dma_wait3A_37] : memref<10240x128xf32, #tpu.memory_space<vmem_shared>> -> memref<10240x128xf32, #tpu.memory_space<vmem_shared>>
        tpu.wait_indirect_dma semaphore(%run_scoped3A : memref<!tpu.dma_semaphore, #tpu.memory_space<semaphore_mem>>) src(%arg9 : memref<128x128xf32, #tpu.memory_space<vmem>>) dst(%dma_wait3A_38 : memref<10240x128xf32, #tpu.memory_space<vmem_shared>>)
        tpu.yield
      }) : () -> ()
      %scan3A_26 = arith.constant 0 : i32
      scf.yield %scan3A_26 : i32
    }
    %scan3A_8 = arith.constant 80 : i32
    %barrier3A_9 = arith.constant 0 : index
    tpu.barrier barrier_id(%barrier3A_9)
    %mul3A_10 = arith.constant 640 : i32
    %mul3A_11 = arith.muli %arg1, %mul3A_10 : i32
    %mul3A_12 = arith.constant 640 : i32
    %mul3A_13 = arith.muli %arg1, %mul3A_12 : i32
    "tpu.region"() ({
      %run_scoped3A = tpu.sem_alloc : memref<!tpu.dma_semaphore, #tpu.memory_space<semaphore_mem>>
      %dma_start3A = arith.constant 0 : i32
      %dma_start3A_14 = tpu.memref_slice %arg6[%arg0, %mul3A_13, %dma_start3A] : memref<2x10240x128xf32, #tpu.memory_space<hbm>> -> memref<1x640x128xf32, #tpu.memory_space<hbm>>
      %dma_start3A_15 = tpu.memref_squeeze %dma_start3A_14 : memref<1x640x128xf32, #tpu.memory_space<hbm>> -> memref<640x128xf32, #tpu.memory_space<hbm>>
      %dma_start3A_16 = arith.constant 0 : i32
      %dma_start3A_17 = tpu.memref_slice %arg10[%mul3A_11, %dma_start3A_16] : memref<10240x128xf32, #tpu.memory_space<vmem_shared>> -> memref<640x128xf32, #tpu.memory_space<vmem_shared>>
      tpu.enqueue_dma source(%dma_start3A_17 : memref<640x128xf32, #tpu.memory_space<vmem_shared>>) target(%dma_start3A_15 : memref<640x128xf32, #tpu.memory_space<hbm>>) target_semaphore(%run_scoped3A : memref<!tpu.dma_semaphore, #tpu.memory_space<semaphore_mem>>)
      %dma_wait3A = arith.constant 0 : i32
      %dma_wait3A_18 = tpu.memref_slice %arg6[%arg0, %mul3A_13, %dma_wait3A] : memref<2x10240x128xf32, #tpu.memory_space<hbm>> -> memref<1x640x128xf32, #tpu.memory_space<hbm>>
      %dma_wait3A_19 = tpu.memref_squeeze %dma_wait3A_18 : memref<1x640x128xf32, #tpu.memory_space<hbm>> -> memref<640x128xf32, #tpu.memory_space<hbm>>
      %dma_wait3A_20 = arith.constant 0 : i32
      %dma_wait3A_21 = tpu.memref_slice %arg10[%mul3A_11, %dma_wait3A_20] : memref<10240x128xf32, #tpu.memory_space<vmem_shared>> -> memref<640x128xf32, #tpu.memory_space<vmem_shared>>
      tpu.wait_dma2 semaphore(%run_scoped3A : memref<!tpu.dma_semaphore, #tpu.memory_space<semaphore_mem>>) src(%dma_wait3A_21 : memref<640x128xf32, #tpu.memory_space<vmem_shared>>) dst(%dma_wait3A_19 : memref<640x128xf32, #tpu.memory_space<hbm>>)
      tpu.yield
    }) : () -> ()
    return
  }
}

module attributes {stable_mosaic.version = 14 : i64} {
  func.func @_mm1_body(%arg0: i32, %arg1: memref<32x1024xf32, #tpu.memory_space<vmem>>, %arg2: memref<1024x128xf32, #tpu.memory_space<vmem>>, %arg3: memref<128x128xf32, #tpu.memory_space<vmem>>, %arg4: memref<1024x128xf32, #tpu.memory_space<vmem>>, %arg5: memref<1024xf32, #tpu.memory_space<vmem>>) attributes {dimension_semantics = [#tpu.dimension_semantics<arbitrary>], iteration_bounds = array<i64: 10>, scalar_prefetch = 0 : i64, scratch_operands = 0 : i64, tpu.core_type = #tpu.core_type<tc>, window_params = [{transform_indices = @transform_0, window_bounds = array<i64: 32, 1024>}, {transform_indices = @transform_1, window_bounds = array<i64: 1024, 128>}, {pipeline_mode = #tpu.pipeline_mode<synchronous>, transform_indices = @transform_2, window_bounds = array<i64: 128, 128>}, {transform_indices = @transform_3, window_bounds = array<i64: 1024, 128>}, {transform_indices = @transform_4, window_bounds = array<i64: 1024>}]} {
    %get3A = arith.constant 0 : index
    %get3A_0 = arith.constant 0 : index
    %get3A_1 = vector.load %arg1[%get3A, %get3A_0] : memref<32x1024xf32, #tpu.memory_space<vmem>>, vector<32x1024xf32>
    %reduce_sum3A = arith.constant dense<0.000000e+00> : vector<1024xf32>
    %reduce_sum3A_2 = vector.multi_reduction <add>, %get3A_1, %reduce_sum3A [0] : vector<32x1024xf32> to vector<1024xf32>
    %add3A = arith.constant 1.000000e+00 : f32
    %add3A_3 = vector.broadcast %add3A : f32 to vector<1024xf32>
    %add3A_4 = arith.addf %reduce_sum3A_2, %add3A_3 : vector<1024xf32>
    %rsqrt3A = math.rsqrt %add3A_4 : vector<1024xf32>
    %get3A_5 = arith.constant 0 : index
    %get3A_6 = arith.constant 0 : index
    %get3A_7 = vector.load %arg2[%get3A_5, %get3A_6] : memref<1024x128xf32, #tpu.memory_space<vmem>>, vector<1024x128xf32>
    %get3A_8 = arith.constant 0 : index
    %get3A_9 = arith.constant 0 : index
    %get3A_10 = vector.load %arg3[%get3A_8, %get3A_9] : memref<128x128xf32, #tpu.memory_space<vmem>>, vector<128x128xf32>
    %dot_general3A = arith.constant dense<0.000000e+00> : vector<1024x128xf32>
    %dot_general3A_11 = tpu.matmul %get3A_7, %get3A_10, %dot_general3A {dimension_numbers = #tpu.dot_dimension_numbers<[1], [0], [0], [1], [0, 0, 1, 1], [], []>, transpose_lhs_hint = false} : vector<1024x128xf32>, vector<128x128xf32>, vector<1024x128xf32> -> vector<1024x128xf32>
    %broadcast_in_dim3A = vector.shape_cast %rsqrt3A : vector<1024xf32> to vector<1024x1xf32>
    %mul3A = vector.broadcast %broadcast_in_dim3A : vector<1024x1xf32> to vector<1024x128xf32>
    %mul3A_12 = arith.mulf %dot_general3A_11, %mul3A : vector<1024x128xf32>
    %swap3A = arith.constant 0 : index
    %swap3A_13 = arith.constant 0 : index
    %swap3A_14 = vector.load %arg4[%swap3A, %swap3A_13] : memref<1024x128xf32, #tpu.memory_space<vmem>>, vector<1024x128xf32>
    tpu.vector_store %arg4[%swap3A, %swap3A_13], %mul3A_12 {strides = array<i32>} : memref<1024x128xf32, #tpu.memory_space<vmem>>, vector<1024x128xf32>,
    %swap3A_15 = arith.constant 0 : index
    %swap3A_16 = vector.load %arg5[%swap3A_15] : memref<1024xf32, #tpu.memory_space<vmem>>, vector<1024xf32>
    tpu.vector_store %arg5[%swap3A_15], %rsqrt3A {strides = array<i32>} : memref<1024xf32, #tpu.memory_space<vmem>>, vector<1024xf32>,
    return
  }
  func.func @transform_0(%arg0: i32) -> (i32, i32) {
    %c0_i32 = arith.constant 0 : i32
    %c0_i32_0 = arith.constant 0 : i32
    return %c0_i32, %arg0 : i32, i32
  }
  func.func @transform_1(%arg0: i32) -> (i32, i32) {
    %c0_i32 = arith.constant 0 : i32
    %c0_i32_0 = arith.constant 0 : i32
    return %arg0, %c0_i32 : i32, i32
  }
  func.func @transform_2(%arg0: i32) -> (i32, i32) {
    %c0_i32 = arith.constant 0 : i32
    %c0_i32_0 = arith.constant 0 : i32
    %c0_i32_1 = arith.constant 0 : i32
    return %c0_i32, %c0_i32_0 : i32, i32
  }
  func.func @transform_3(%arg0: i32) -> (i32, i32) {
    %c0_i32 = arith.constant 0 : i32
    %c0_i32_0 = arith.constant 0 : i32
    return %arg0, %c0_i32 : i32, i32
  }
  func.func @transform_4(%arg0: i32) -> i32 {
    %c0_i32 = arith.constant 0 : i32
    return %arg0 : i32
  }
}

module attributes {stable_mosaic.version = 14 : i64} {
  func.func @_mmc_body(%arg0: i32, %arg1: memref<2x1024x128xf32, #tpu.memory_space<vmem>>, %arg2: memref<1024x128xf32, #tpu.memory_space<vmem>>, %arg3: memref<1024xf32, #tpu.memory_space<vmem>>, %arg4: memref<128x128xf32, #tpu.memory_space<vmem>>, %arg5: memref<1024x128xf32, #tpu.memory_space<vmem>>) attributes {dimension_semantics = [#tpu.dimension_semantics<arbitrary>], iteration_bounds = array<i64: 10>, scalar_prefetch = 0 : i64, scratch_operands = 0 : i64, tpu.core_type = #tpu.core_type<tc>, window_params = [{transform_indices = @transform_0, window_bounds = array<i64: 2, 1024, 128>}, {transform_indices = @transform_1, window_bounds = array<i64: 1024, 128>}, {transform_indices = @transform_2, window_bounds = array<i64: 1024>}, {pipeline_mode = #tpu.pipeline_mode<synchronous>, transform_indices = @transform_3, window_bounds = array<i64: 128, 128>}, {transform_indices = @transform_4, window_bounds = array<i64: 1024, 128>}]} {
    %get3A = arith.constant 0 : index
    %get3A_0 = vector.load %arg3[%get3A] : memref<1024xf32, #tpu.memory_space<vmem>>, vector<1024xf32>
    %broadcast_in_dim3A = vector.shape_cast %get3A_0 : vector<1024xf32> to vector<1024x1xf32>
    %get3A_1 = arith.constant 0 : index
    %get3A_2 = arith.constant 0 : index
    %get3A_3 = arith.constant 0 : index
    %get3A_4 = vector.load %arg1[%get3A_1, %get3A_2, %get3A_3] : memref<2x1024x128xf32, #tpu.memory_space<vmem>>, vector<1x1024x128xf32>
    %get3A_5 = vector.shape_cast %get3A_4 : vector<1x1024x128xf32> to vector<1024x128xf32>
    %get3A_6 = arith.constant 1 : index
    %get3A_7 = arith.constant 0 : index
    %get3A_8 = arith.constant 0 : index
    %get3A_9 = vector.load %arg1[%get3A_6, %get3A_7, %get3A_8] : memref<2x1024x128xf32, #tpu.memory_space<vmem>>, vector<1x1024x128xf32>
    %get3A_10 = vector.shape_cast %get3A_9 : vector<1x1024x128xf32> to vector<1024x128xf32>
    %add3A = arith.addf %get3A_5, %get3A_10 : vector<1024x128xf32>
    %get3A_11 = arith.constant 0 : index
    %get3A_12 = arith.constant 0 : index
    %get3A_13 = vector.load %arg2[%get3A_11, %get3A_12] : memref<1024x128xf32, #tpu.memory_space<vmem>>, vector<1024x128xf32>
    %add3A_14 = arith.addf %add3A, %get3A_13 : vector<1024x128xf32>
    %mul3A = vector.broadcast %broadcast_in_dim3A : vector<1024x1xf32> to vector<1024x128xf32>
    %mul3A_15 = arith.mulf %add3A_14, %mul3A : vector<1024x128xf32>
    %max3A = arith.constant 0.000000e+00 : f32
    %max3A_16 = vector.broadcast %max3A : f32 to vector<1024x128xf32>
    %max3A_17 = arith.maximumf %mul3A_15, %max3A_16 : vector<1024x128xf32>
    %get3A_18 = arith.constant 0 : index
    %get3A_19 = arith.constant 0 : index
    %get3A_20 = vector.load %arg4[%get3A_18, %get3A_19] : memref<128x128xf32, #tpu.memory_space<vmem>>, vector<128x128xf32>
    %dot_general3A = arith.constant dense<0.000000e+00> : vector<1024x128xf32>
    %dot_general3A_21 = tpu.matmul %max3A_17, %get3A_20, %dot_general3A {dimension_numbers = #tpu.dot_dimension_numbers<[1], [0], [0], [1], [0, 0, 1, 1], [], []>, transpose_lhs_hint = false} : vector<1024x128xf32>, vector<128x128xf32>, vector<1024x128xf32> -> vector<1024x128xf32>
    %mul3A_22 = vector.broadcast %broadcast_in_dim3A : vector<1024x1xf32> to vector<1024x128xf32>
    %mul3A_23 = arith.mulf %dot_general3A_21, %mul3A_22 : vector<1024x128xf32>
    %swap3A = arith.constant 0 : index
    %swap3A_24 = arith.constant 0 : index
    %swap3A_25 = vector.load %arg5[%swap3A, %swap3A_24] : memref<1024x128xf32, #tpu.memory_space<vmem>>, vector<1024x128xf32>
    tpu.vector_store %arg5[%swap3A, %swap3A_24], %mul3A_23 {strides = array<i32>} : memref<1024x128xf32, #tpu.memory_space<vmem>>, vector<1024x128xf32>,
    return
  }
  func.func @transform_0(%arg0: i32) -> (i32, i32, i32) {
    %c0_i32 = arith.constant 0 : i32
    %c0_i32_0 = arith.constant 0 : i32
    %c0_i32_1 = arith.constant 0 : i32
    return %c0_i32, %arg0, %c0_i32_0 : i32, i32, i32
  }
  func.func @transform_1(%arg0: i32) -> (i32, i32) {
    %c0_i32 = arith.constant 0 : i32
    %c0_i32_0 = arith.constant 0 : i32
    return %arg0, %c0_i32 : i32, i32
  }
  func.func @transform_2(%arg0: i32) -> i32 {
    %c0_i32 = arith.constant 0 : i32
    return %arg0 : i32
  }
  func.func @transform_3(%arg0: i32) -> (i32, i32) {
    %c0_i32 = arith.constant 0 : i32
    %c0_i32_0 = arith.constant 0 : i32
    %c0_i32_1 = arith.constant 0 : i32
    return %c0_i32, %c0_i32_0 : i32, i32
  }
  func.func @transform_4(%arg0: i32) -> (i32, i32) {
    %c0_i32 = arith.constant 0 : i32
    %c0_i32_0 = arith.constant 0 : i32
    return %arg0, %c0_i32 : i32, i32
  }
}

module attributes {stable_mosaic.version = 14 : i64} {
  func.func @_pool_body(%arg0: i32, %arg1: memref<2x1024x128xf32, #tpu.memory_space<vmem>>, %arg2: memref<1024x128xf32, #tpu.memory_space<vmem>>, %arg3: memref<1024xf32, #tpu.memory_space<vmem>>, %arg4: memref<1024xi32, #tpu.memory_space<vmem>>, %arg5: memref<128x128xf32, #tpu.memory_space<vmem>>, %arg6: memref<128x128xf32, #tpu.memory_space<vmem>>) attributes {dimension_semantics = [#tpu.dimension_semantics<arbitrary>], iteration_bounds = array<i64: 10>, scalar_prefetch = 0 : i64, scratch_operands = 0 : i64, tpu.core_type = #tpu.core_type<tc>, window_params = [{transform_indices = @transform_0, window_bounds = array<i64: 2, 1024, 128>}, {transform_indices = @transform_1, window_bounds = array<i64: 1024, 128>}, {transform_indices = @transform_2, window_bounds = array<i64: 1024>}, {transform_indices = @transform_3, window_bounds = array<i64: 1024>}, {pipeline_mode = #tpu.pipeline_mode<synchronous>, transform_indices = @transform_4, window_bounds = array<i64: 128, 128>}, {pipeline_mode = #tpu.pipeline_mode<synchronous>, transform_indices = @transform_5, window_bounds = array<i64: 128, 128>}]} {
    %get3A = arith.constant 0 : index
    %get3A_0 = vector.load %arg3[%get3A] : memref<1024xf32, #tpu.memory_space<vmem>>, vector<1024xf32>
    %broadcast_in_dim3A = vector.shape_cast %get3A_0 : vector<1024xf32> to vector<1024x1xf32>
    %get3A_1 = arith.constant 0 : index
    %get3A_2 = arith.constant 0 : index
    %get3A_3 = arith.constant 0 : index
    %get3A_4 = vector.load %arg1[%get3A_1, %get3A_2, %get3A_3] : memref<2x1024x128xf32, #tpu.memory_space<vmem>>, vector<1x1024x128xf32>
    %get3A_5 = vector.shape_cast %get3A_4 : vector<1x1024x128xf32> to vector<1024x128xf32>
    %get3A_6 = arith.constant 1 : index
    %get3A_7 = arith.constant 0 : index
    %get3A_8 = arith.constant 0 : index
    %get3A_9 = vector.load %arg1[%get3A_6, %get3A_7, %get3A_8] : memref<2x1024x128xf32, #tpu.memory_space<vmem>>, vector<1x1024x128xf32>
    %get3A_10 = vector.shape_cast %get3A_9 : vector<1x1024x128xf32> to vector<1024x128xf32>
    %add3A = arith.addf %get3A_5, %get3A_10 : vector<1024x128xf32>
    %get3A_11 = arith.constant 0 : index
    %get3A_12 = arith.constant 0 : index
    %get3A_13 = vector.load %arg2[%get3A_11, %get3A_12] : memref<1024x128xf32, #tpu.memory_space<vmem>>, vector<1024x128xf32>
    %add3A_14 = arith.addf %add3A, %get3A_13 : vector<1024x128xf32>
    %mul3A = vector.broadcast %broadcast_in_dim3A : vector<1024x1xf32> to vector<1024x128xf32>
    %mul3A_15 = arith.mulf %add3A_14, %mul3A : vector<1024x128xf32>
    %max3A = arith.constant 0.000000e+00 : f32
    %max3A_16 = vector.broadcast %max3A : f32 to vector<1024x128xf32>
    %max3A_17 = arith.maximumf %mul3A_15, %max3A_16 : vector<1024x128xf32>
    %get3A_18 = arith.constant 0 : index
    %get3A_19 = vector.load %arg4[%get3A_18] : memref<1024xi32, #tpu.memory_space<vmem>>, vector<1024xi32>
    %broadcast_in_dim3A_20 = vector.shape_cast %get3A_19 : vector<1024xi32> to vector<1024x1xi32>
    %iota3A = tpu.iota {dimensions = array<i32: 1>} : vector<1x128xi32>
    %eq3A = vector.broadcast %broadcast_in_dim3A_20 : vector<1024x1xi32> to vector<1024x128xi32>
    %eq3A_21 = vector.broadcast %iota3A : vector<1x128xi32> to vector<1024x128xi32>
    %eq3A_22 = arith.cmpi eq, %eq3A, %eq3A_21 : vector<1024x128xi32>
    %convert_element_type3A = arith.extui %eq3A_22 : vector<1024x128xi1> to vector<1024x128xi32>
    %convert_element_type3A_23 = arith.sitofp %convert_element_type3A : vector<1024x128xi32> to vector<1024x128xf32>
    %dot_general3A = arith.constant dense<0.000000e+00> : vector<128x128xf32>
    %dot_general3A_24 = tpu.matmul %convert_element_type3A_23, %max3A_17, %dot_general3A {dimension_numbers = #tpu.dot_dimension_numbers<[0], [0], [1], [1], [0, 1, 1, 1], [], []>, precision = #tpu.contract_precision<fp32>, transpose_lhs_hint = false} : vector<1024x128xf32>, vector<1024x128xf32>, vector<128x128xf32> -> vector<128x128xf32>
    %broadcast_in_dim3A_25 = arith.constant 1.000000e+00 : f32
    %broadcast_in_dim3A_26 = vector.broadcast %broadcast_in_dim3A_25 : f32 to vector<1024x128xf32>
    %dot_general3A_27 = arith.constant dense<0.000000e+00> : vector<128x128xf32>
    %dot_general3A_28 = tpu.matmul %convert_element_type3A_23, %broadcast_in_dim3A_26, %dot_general3A_27 {dimension_numbers = #tpu.dot_dimension_numbers<[0], [0], [1], [1], [0, 1, 1, 1], [], []>, precision = #tpu.contract_precision<fp32>, transpose_lhs_hint = false} : vector<1024x128xf32>, vector<1024x128xf32>, vector<128x128xf32> -> vector<128x128xf32>
    %eq3A_29 = arith.constant 0 : i32
    %eq3A_30 = arith.cmpi eq, %arg0, %eq3A_29 : i32
    %convert_element_type3A_31 = arith.extui %eq3A_30 : i1 to i32
    %cond3A = arith.constant 0 : i32
    %cond3A_32 = arith.cmpi ne, %convert_element_type3A_31, %cond3A : i32
    scf.if %cond3A_32 {
      %swap3A = arith.constant 0 : index
      %swap3A_37 = arith.constant 0 : index
      %swap3A_38 = vector.load %arg5[%swap3A, %swap3A_37] : memref<128x128xf32, #tpu.memory_space<vmem>>, vector<128x128xf32>
      tpu.vector_store %arg5[%swap3A, %swap3A_37], %dot_general3A_24 {strides = array<i32>} : memref<128x128xf32, #tpu.memory_space<vmem>>, vector<128x128xf32>,
      %swap3A_39 = arith.constant 0 : index
      %swap3A_40 = arith.constant 0 : index
      %swap3A_41 = vector.load %arg6[%swap3A_39, %swap3A_40] : memref<128x128xf32, #tpu.memory_space<vmem>>, vector<128x128xf32>
      tpu.vector_store %arg6[%swap3A_39, %swap3A_40], %dot_general3A_28 {strides = array<i32>} : memref<128x128xf32, #tpu.memory_space<vmem>>, vector<128x128xf32>,
    } else {
    }
    %ne3A = arith.constant 0 : i32
    %ne3A_33 = arith.cmpi ne, %arg0, %ne3A : i32
    %convert_element_type3A_34 = arith.extui %ne3A_33 : i1 to i32
    %cond3A_35 = arith.constant 0 : i32
    %cond3A_36 = arith.cmpi ne, %convert_element_type3A_34, %cond3A_35 : i32
    scf.if %cond3A_36 {
      %get3A_37 = arith.constant 0 : index
      %get3A_38 = arith.constant 0 : index
      %get3A_39 = vector.load %arg5[%get3A_37, %get3A_38] : memref<128x128xf32, #tpu.memory_space<vmem>>, vector<128x128xf32>
      %add3A_40 = arith.addf %get3A_39, %dot_general3A_24 : vector<128x128xf32>
      %swap3A = arith.constant 0 : index
      %swap3A_41 = arith.constant 0 : index
      %swap3A_42 = vector.load %arg5[%swap3A, %swap3A_41] : memref<128x128xf32, #tpu.memory_space<vmem>>, vector<128x128xf32>
      tpu.vector_store %arg5[%swap3A, %swap3A_41], %add3A_40 {strides = array<i32>} : memref<128x128xf32, #tpu.memory_space<vmem>>, vector<128x128xf32>,
      %get3A_43 = arith.constant 0 : index
      %get3A_44 = arith.constant 0 : index
      %get3A_45 = vector.load %arg6[%get3A_43, %get3A_44] : memref<128x128xf32, #tpu.memory_space<vmem>>, vector<128x128xf32>
      %add3A_46 = arith.addf %get3A_45, %dot_general3A_28 : vector<128x128xf32>
      %swap3A_47 = arith.constant 0 : index
      %swap3A_48 = arith.constant 0 : index
      %swap3A_49 = vector.load %arg6[%swap3A_47, %swap3A_48] : memref<128x128xf32, #tpu.memory_space<vmem>>, vector<128x128xf32>
      tpu.vector_store %arg6[%swap3A_47, %swap3A_48], %add3A_46 {strides = array<i32>} : memref<128x128xf32, #tpu.memory_space<vmem>>, vector<128x128xf32>,
    } else {
    }
    return
  }
  func.func @transform_0(%arg0: i32) -> (i32, i32, i32) {
    %c0_i32 = arith.constant 0 : i32
    %c0_i32_0 = arith.constant 0 : i32
    %c0_i32_1 = arith.constant 0 : i32
    return %c0_i32, %arg0, %c0_i32_0 : i32, i32, i32
  }
  func.func @transform_1(%arg0: i32) -> (i32, i32) {
    %c0_i32 = arith.constant 0 : i32
    %c0_i32_0 = arith.constant 0 : i32
    return %arg0, %c0_i32 : i32, i32
  }
  func.func @transform_2(%arg0: i32) -> i32 {
    %c0_i32 = arith.constant 0 : i32
    return %arg0 : i32
  }
  func.func @transform_3(%arg0: i32) -> i32 {
    %c0_i32 = arith.constant 0 : i32
    return %arg0 : i32
  }
  func.func @transform_4(%arg0: i32) -> (i32, i32) {
    %c0_i32 = arith.constant 0 : i32
    %c0_i32_0 = arith.constant 0 : i32
    %c0_i32_1 = arith.constant 0 : i32
    return %c0_i32, %c0_i32_0 : i32, i32
  }
  func.func @transform_5(%arg0: i32) -> (i32, i32) {
    %c0_i32 = arith.constant 0 : i32
    %c0_i32_0 = arith.constant 0 : i32
    %c0_i32_1 = arith.constant 0 : i32
    return %c0_i32, %c0_i32_0 : i32, i32
  }
}

module attributes {stable_mosaic.version = 14 : i64} {
  func.func @_mlp_body(%arg0: memref<128x128xf32, #tpu.memory_space<vmem>>, %arg1: memref<128x128xf32, #tpu.memory_space<vmem>>, %arg2: memref<128x128xf32, #tpu.memory_space<vmem>>, %arg3: memref<128xf32, #tpu.memory_space<vmem>>, %arg4: memref<128xf32, #tpu.memory_space<vmem>>, %arg5: memref<128xf32, #tpu.memory_space<vmem>>, %arg6: memref<128x64xf32, #tpu.memory_space<vmem>>, %arg7: memref<64xf32, #tpu.memory_space<vmem>>, %arg8: memref<128x64xf32, #tpu.memory_space<vmem>>, %arg9: memref<128x64xf32, #tpu.memory_space<vmem>>, %arg10: memref<128x64xf32, #tpu.memory_space<vmem>>) attributes {dimension_semantics = [], scalar_prefetch = 0 : i64, scratch_operands = 0 : i64, tpu.core_type = #tpu.core_type<tc>} {
    %get3A = arith.constant 0 : index
    %get3A_0 = arith.constant 0 : index
    %get3A_1 = vector.load %arg1[%get3A, %get3A_0] : memref<128x128xf32, #tpu.memory_space<vmem>>, vector<128x128xf32>
    %max3A = arith.constant 1.000000e+00 : f32
    %max3A_2 = vector.broadcast %max3A : f32 to vector<128x128xf32>
    %max3A_3 = arith.maximumf %get3A_1, %max3A_2 : vector<128x128xf32>
    %get3A_4 = arith.constant 0 : index
    %get3A_5 = arith.constant 0 : index
    %get3A_6 = vector.load %arg0[%get3A_4, %get3A_5] : memref<128x128xf32, #tpu.memory_space<vmem>>, vector<128x128xf32>
    %div3A = arith.divf %get3A_6, %max3A_3 : vector<128x128xf32>
    %get3A_7 = arith.constant 0 : index
    %get3A_8 = arith.constant 0 : index
    %get3A_9 = vector.load %arg2[%get3A_7, %get3A_8] : memref<128x128xf32, #tpu.memory_space<vmem>>, vector<128x128xf32>
    %dot_general3A = arith.constant dense<0.000000e+00> : vector<128x128xf32>
    %dot_general3A_10 = tpu.matmul %div3A, %get3A_9, %dot_general3A {dimension_numbers = #tpu.dot_dimension_numbers<[1], [0], [0], [1], [0, 0, 1, 1], [], []>, transpose_lhs_hint = false} : vector<128x128xf32>, vector<128x128xf32>, vector<128x128xf32> -> vector<128x128xf32>
    %get3A_11 = arith.constant 0 : index
    %get3A_12 = vector.load %arg3[%get3A_11] : memref<128xf32, #tpu.memory_space<vmem>>, vector<128xf32>
    %broadcast_in_dim3A = vector.shape_cast %get3A_12 : vector<128xf32> to vector<1x128xf32>
    %add3A = vector.broadcast %broadcast_in_dim3A : vector<1x128xf32> to vector<128x128xf32>
    %add3A_13 = arith.addf %dot_general3A_10, %add3A : vector<128x128xf32>
    %reduce_sum3A = arith.constant dense<0.000000e+00> : vector<128xf32>
    %reduce_sum3A_14 = vector.multi_reduction <add>, %add3A_13, %reduce_sum3A [0] : vector<128x128xf32> to vector<128xf32>
    %broadcast_in_dim3A_15 = vector.shape_cast %reduce_sum3A_14 : vector<128xf32> to vector<1x128xf32>
    %div3A_16 = arith.constant 1.280000e+02 : f32
    %div3A_17 = vector.broadcast %div3A_16 : f32 to vector<1x128xf32>
    %div3A_18 = arith.divf %broadcast_in_dim3A_15, %div3A_17 : vector<1x128xf32>
    %sub3A = vector.broadcast %div3A_18 : vector<1x128xf32> to vector<128x128xf32>
    %sub3A_19 = arith.subf %add3A_13, %sub3A : vector<128x128xf32>
    %sub3A_20 = vector.broadcast %div3A_18 : vector<1x128xf32> to vector<128x128xf32>
    %sub3A_21 = arith.subf %add3A_13, %sub3A_20 : vector<128x128xf32>
    %mul3A = arith.mulf %sub3A_19, %sub3A_21 : vector<128x128xf32>
    %reduce_sum3A_22 = arith.constant dense<0.000000e+00> : vector<128xf32>
    %reduce_sum3A_23 = vector.multi_reduction <add>, %mul3A, %reduce_sum3A_22 [0] : vector<128x128xf32> to vector<128xf32>
    %broadcast_in_dim3A_24 = vector.shape_cast %reduce_sum3A_23 : vector<128xf32> to vector<1x128xf32>
    %div3A_25 = arith.constant 1.280000e+02 : f32
    %div3A_26 = vector.broadcast %div3A_25 : f32 to vector<1x128xf32>
    %div3A_27 = arith.divf %broadcast_in_dim3A_24, %div3A_26 : vector<1x128xf32>
    %sub3A_28 = vector.broadcast %div3A_18 : vector<1x128xf32> to vector<128x128xf32>
    %sub3A_29 = arith.subf %add3A_13, %sub3A_28 : vector<128x128xf32>
    %add3A_30 = arith.constant 9.99999974E-6 : f32
    %add3A_31 = vector.broadcast %add3A_30 : f32 to vector<1x128xf32>
    %add3A_32 = arith.addf %div3A_27, %add3A_31 : vector<1x128xf32>
    %sqrt3A = math.sqrt %add3A_32 : vector<1x128xf32>
    %div3A_33 = vector.broadcast %sqrt3A : vector<1x128xf32> to vector<128x128xf32>
    %div3A_34 = arith.divf %sub3A_29, %div3A_33 : vector<128x128xf32>
    %get3A_35 = arith.constant 0 : index
    %get3A_36 = vector.load %arg4[%get3A_35] : memref<128xf32, #tpu.memory_space<vmem>>, vector<128xf32>
    %broadcast_in_dim3A_37 = vector.shape_cast %get3A_36 : vector<128xf32> to vector<1x128xf32>
    %mul3A_38 = vector.broadcast %broadcast_in_dim3A_37 : vector<1x128xf32> to vector<128x128xf32>
    %mul3A_39 = arith.mulf %div3A_34, %mul3A_38 : vector<128x128xf32>
    %get3A_40 = arith.constant 0 : index
    %get3A_41 = vector.load %arg5[%get3A_40] : memref<128xf32, #tpu.memory_space<vmem>>, vector<128xf32>
    %broadcast_in_dim3A_42 = vector.shape_cast %get3A_41 : vector<128xf32> to vector<1x128xf32>
    %add3A_43 = vector.broadcast %broadcast_in_dim3A_42 : vector<1x128xf32> to vector<128x128xf32>
    %add3A_44 = arith.addf %mul3A_39, %add3A_43 : vector<128x128xf32>
    %max3A_45 = arith.constant 0.000000e+00 : f32
    %max3A_46 = vector.broadcast %max3A_45 : f32 to vector<128x128xf32>
    %max3A_47 = arith.maximumf %add3A_44, %max3A_46 : vector<128x128xf32>
    %get3A_48 = arith.constant 0 : index
    %get3A_49 = arith.constant 0 : index
    %get3A_50 = vector.load %arg6[%get3A_48, %get3A_49] : memref<128x64xf32, #tpu.memory_space<vmem>>, vector<128x64xf32>
    %dot_general3A_51 = arith.constant dense<0.000000e+00> : vector<128x64xf32>
    %dot_general3A_52 = tpu.matmul %max3A_47, %get3A_50, %dot_general3A_51 {dimension_numbers = #tpu.dot_dimension_numbers<[1], [0], [0], [1], [0, 0, 1, 1], [], []>, transpose_lhs_hint = false} : vector<128x128xf32>, vector<128x64xf32>, vector<128x64xf32> -> vector<128x64xf32>
    %get3A_53 = arith.constant 0 : index
    %get3A_54 = vector.load %arg7[%get3A_53] : memref<64xf32, #tpu.memory_space<vmem>>, vector<64xf32>
    %broadcast_in_dim3A_55 = vector.shape_cast %get3A_54 : vector<64xf32> to vector<1x64xf32>
    %add3A_56 = vector.broadcast %broadcast_in_dim3A_55 : vector<1x64xf32> to vector<128x64xf32>
    %add3A_57 = arith.addf %dot_general3A_52, %add3A_56 : vector<128x64xf32>
    %reduce_max3A = arith.constant dense<0xFF800000> : vector<128xf32>
    %reduce_max3A_58 = vector.multi_reduction <maximumf>, %add3A_57, %reduce_max3A [1] : vector<128x64xf32> to vector<128xf32>
    %broadcast_in_dim3A_59 = vector.shape_cast %reduce_max3A_58 : vector<128xf32> to vector<128x1xf32>
    %sub3A_60 = vector.broadcast %broadcast_in_dim3A_59 : vector<128x1xf32> to vector<128x64xf32>
    %sub3A_61 = arith.subf %add3A_57, %sub3A_60 : vector<128x64xf32>
    %exp3A = math.exp %sub3A_61 : vector<128x64xf32>
    %reduce_sum3A_62 = arith.constant dense<0.000000e+00> : vector<128xf32>
    %reduce_sum3A_63 = vector.multi_reduction <add>, %exp3A, %reduce_sum3A_62 [1] : vector<128x64xf32> to vector<128xf32>
    %broadcast_in_dim3A_64 = vector.shape_cast %reduce_sum3A_63 : vector<128xf32> to vector<128x1xf32>
    %log3A = math.log %broadcast_in_dim3A_64 : vector<128x1xf32>
    %add3A_65 = arith.addf %broadcast_in_dim3A_59, %log3A : vector<128x1xf32>
    %sub3A_66 = vector.broadcast %add3A_65 : vector<128x1xf32> to vector<128x64xf32>
    %sub3A_67 = arith.subf %add3A_57, %sub3A_66 : vector<128x64xf32>
    %swap3A = arith.constant 0 : index
    %swap3A_68 = arith.constant 0 : index
    %swap3A_69 = vector.load %arg8[%swap3A, %swap3A_68] : memref<128x64xf32, #tpu.memory_space<vmem>>, vector<128x64xf32>
    tpu.vector_store %arg8[%swap3A, %swap3A_68], %sub3A_67 {strides = array<i32>} : memref<128x64xf32, #tpu.memory_space<vmem>>, vector<128x64xf32>,
    %neg3A = arith.constant 0.000000e+00 : f32
    %neg3A_70 = vector.broadcast %neg3A : f32 to vector<128x64xf32>
    %neg3A_71 = arith.subf %neg3A_70, %add3A_57 : vector<128x64xf32>
    %exp3A_72 = math.exp %neg3A_71 : vector<128x64xf32>
    %add3A_73 = arith.constant 1.000000e+00 : f32
    %add3A_74 = vector.broadcast %add3A_73 : f32 to vector<128x64xf32>
    %add3A_75 = arith.addf %add3A_74, %exp3A_72 : vector<128x64xf32>
    %div3A_76 = arith.constant 1.000000e+00 : f32
    %div3A_77 = vector.broadcast %div3A_76 : f32 to vector<128x64xf32>
    %div3A_78 = arith.divf %div3A_77, %add3A_75 : vector<128x64xf32>
    %swap3A_79 = arith.constant 0 : index
    %swap3A_80 = arith.constant 0 : index
    %swap3A_81 = vector.load %arg9[%swap3A_79, %swap3A_80] : memref<128x64xf32, #tpu.memory_space<vmem>>, vector<128x64xf32>
    tpu.vector_store %arg9[%swap3A_79, %swap3A_80], %div3A_78 {strides = array<i32>} : memref<128x64xf32, #tpu.memory_space<vmem>>, vector<128x64xf32>,
    %swap3A_82 = arith.constant 0 : index
    %swap3A_83 = arith.constant 0 : index
    %swap3A_84 = vector.load %arg10[%swap3A_82, %swap3A_83] : memref<128x64xf32, #tpu.memory_space<vmem>>, vector<128x64xf32>
    tpu.vector_store %arg10[%swap3A_82, %swap3A_83], %add3A_57 {strides = array<i32>} : memref<128x64xf32, #tpu.memory_space<vmem>>, vector<128x64xf32>,
    return
  }
}

</mosaic_0001>

<sc_bundles>
// kernel: kernel.11.cloned.1.call-start
scs
__scs_entry_jumppad:
0x0: {  	(pc) =	sbr.rel $0x88, $3  }
0x1: {  	(tag) =	ssettag $0x0;
	lr =	simm.s32 $0x1  }
0x2: {  	[smem:$0x3F95] =	sst lr;
	_ =	strace $0xD0000000  }
0x3: {  	_ = 	snop  }
0x4: {  	_ = 	snop  }
0x5: {  	_ = 	snop  }
0x6: {  	_ = 	snop  }
0x7: {  	_ = 	snop  }
__scs_overlays_trampoline_lowered:
0x8: {  	[smem:$0x3FA4] =	sst s0  }
0x9: {  	[smem:$0x3FA5] =	sst s1  }
0xa: {  	[smem:$0x3FA6] =	sst s2  }
0xb: {  	[smem:$0x3FA7] =	sst s3  }
0xc: {  	[smem:$0x3FA8] =	sst s4  }
0xd: {  	[smem:$0x3FA9] =	sst s5  }
0xe: {  	[smem:$0x3FAA] =	sst s6  }
0xf: {  	[smem:$0x3FAB] =	sst s7  }
0x10: {  	[smem:$0x3FAC] =	sst s8  }
0x11: {  	[smem:$0x3FAD] =	sst s9;
	s0 =	simm.s32 @!p0 $0x0  }
0x12: {  	s1 =	sld [smem:$0x3F93];
	s0 =	simm.s32 @p0 $0x1  }
0x13: {  	[smem:$0x3FAE] =	sst s0;
	s0 =	simm.s32 @!p1 $0x0  }
0x14: {  	s2 =	sld [smem:$0x3F92];
	s0 =	simm.s32 @p1 $0x1  }
0x15: {  	[smem:$0x3FAF] =	sst s0;
	s0 =	simm.s32 @!p2 $0x0  }
0x16: {  	s3 =	sld [smem:$0x3FDB];
	s0 =	simm.s32 @p2 $0x1  }
0x17: {  	s4 =	simm.s32 $0x1BF5;
	[smem:$0x3FB1] =	sst s0  }
0x18: {  	s0 =	sld [smem:$0x3F94];
	_ =	swait.ge [sflag:s4], $0x0  }
0x19: {  	s7 =	sld [smem:$0x3F95]  }
0x1a: {  	s8 =	sadd.s32 $0xFFFFE003, lr  }
0x1b: {  	s9 =	sadd.s32 $0xFFFFFEF7, lr;
	s5 =	simm.s32 $0xFFFFFFFF;
	p2 =	slt.u32 s8, $0xFFFFF086  }
0x1c: {  	p1 =	slt.u32 s9, $0xF7A;
	s5 =	simm.s32 @!p2 $0x0  }
0x1d: {  	s5 =	simm.s32 @p1 $0x1;
	p0 =	seq.s32 s7, s2  }
0x1e: {  	s7 =	smul.u32 @!p0 $0xF7A, s2;
	p2 =	seq.s32 @!p0 s5, $0x0  }
0x1f: {  	s9 =	smul.u32 $0xF7A, s1;
	s8 =	simm.s32 @!p0 $0x1BF5;
	p2 =	por !p2, p0  }
0x20: {  	[sflag:s8] =	ssyncset.s32 @!p0 $0xFFFFF086;
	s6 =	sadd.s32 @!p0 s3, s7;
	s7 =	simm.s32 @!p0 $0x108  }
0x21: {  	s3 =	sadd.s32 s3, s9;
	s6 =	sadd.s32 @!p0 $0x88, s6;
	s7 =	simm.s32 @p2 $0x1082  }
0x22: {  	[simem:s7], [sflag:s8] =	dma.local @!p0 [hbm:s6], $0xF7A  }
0x23: {  	s9 =	sor.u32 $0xD0000000, s2;
	s6 =	simm.s32 $0x108;
	_ =	swait.ge @!p0 [sflag:s8], $0x0  }
0x24: {  	s3 =	sadd.s32 $0x88, s3;
	s6 =	simm.s32 @!p1 $0x1082;
	[sflag:s4] =	ssyncset.s32 $0xFFFFF086  }
0x25: {  	[simem:s6], [sflag:s4] =	dma.local [hbm:s3], $0xF7A  }
0x26: {  	[smem:$0x3F95] =	sst s1;
	(tag) =	ssettag s2;
	_ =	strace s9  }
0x27: {  	s1 =	sld [smem:$0x3FA5]  }
0x28: {  	s2 =	sld [smem:$0x3FA6]  }
0x29: {  	s4 =	sld [smem:$0x3FA8]  }
0x2a: {  	p0 =	seq.s32 s5, $0x0;
	s5 =	sld [smem:$0x3FA9]  }
0x2b: {  	s6 =	sld [smem:$0x3FAA]  }
0x2c: {  	s7 =	sld [smem:$0x3FAB]  }
0x2d: {  	s3 =	simm.s32 $0x108;
	s8 =	sld [smem:$0x3FAC]  }
0x2e: {  	s3 =	simm.s32 @!p0 $0x1082;
	s9 =	sld [smem:$0x3FAD]  }
0x2f: {  	lr =	sadd.s32 s0, s3;
	s0 =	sld [smem:$0x3FA4]  }
0x30: {  	s3 =	sld [smem:$0x3FA7]  }
0x31: {  	[smem:$0x3FB0] =	sst s10  }
0x32: {  	s10 =	sld [smem:$0x3FAE];
	_ =	sdelay $0x3  }
0x33: {  	p0 =	seq.s32 s10, $0x1;
	s10 =	sld [smem:$0x3FB0];
	_ =	sdelay $0x3  }
0x34: {  	[smem:$0x3FB0] =	sst s10  }
0x35: {  	s10 =	sld [smem:$0x3FAF];
	_ =	sdelay $0x3  }
0x36: {  	p1 =	seq.s32 s10, $0x1;
	s10 =	sld [smem:$0x3FB0];
	_ =	sdelay $0x3  }
0x37: {  	[smem:$0x3FB0] =	sst s10  }
0x38: {  	s10 =	sld [smem:$0x3FB1]  }
0x39: {  	_ = 	snop;
	(pc) =	sbr.ind lr, $3  }
0x3a: {  	_ = 	snop  }
0x3b: {  	_ = 	snop  }
0x3c: {  	p2 =	seq.s32 s10, $0x1;
	s10 =	sld [smem:$0x3FB0]  }
0x3d: {  	_ =	shalt  }
0x3e: {  	_ =	shalt  }
0x3f: {  	_ =	shalt  }
0x40: {  	_ =	shalt  }
0x41: {  	_ =	shalt  }
0x42: {  	_ =	shalt  }
0x43: {  	_ =	shalt  }
0x44: {  	_ =	shalt  }
0x45: {  	_ =	shalt  }
0x46: {  	_ =	shalt  }
0x47: {  	_ =	shalt  }
0x48: {  	_ =	shalt  }
0x49: {  	_ =	shalt  }
0x4a: {  	_ =	shalt  }
0x4b: {  	_ =	shalt  }
0x4c: {  	_ =	shalt  }
0x4d: {  	_ =	shalt  }
0x4e: {  	_ =	shalt  }
0x4f: {  	_ =	shalt  }
0x50: {  	_ =	shalt  }
0x51: {  	_ =	shalt  }
0x52: {  	_ =	shalt  }
0x53: {  	_ =	shalt  }
0x54: {  	_ =	shalt  }
0x55: {  	_ =	shalt  }
0x56: {  	_ =	shalt  }
0x57: {  	_ =	shalt  }
0x58: {  	_ =	shalt  }
0x59: {  	_ =	shalt  }
0x5a: {  	_ =	shalt  }
0x5b: {  	_ =	shalt  }
0x5c: {  	_ =	shalt  }
0x5d: {  	_ =	shalt  }
0x5e: {  	_ =	shalt  }
0x5f: {  	_ =	shalt  }
0x60: {  	_ =	shalt  }
0x61: {  	_ =	shalt  }
0x62: {  	_ =	shalt  }
0x63: {  	_ =	shalt  }
0x64: {  	_ =	shalt  }
0x65: {  	_ =	shalt  }
0x66: {  	_ =	shalt  }
0x67: {  	_ =	shalt  }
0x68: {  	_ =	shalt  }
0x69: {  	_ =	shalt  }
0x6a: {  	_ =	shalt  }
0x6b: {  	_ =	shalt  }
0x6c: {  	_ =	shalt  }
0x6d: {  	_ =	shalt  }
0x6e: {  	_ =	shalt  }
0x6f: {  	_ =	shalt  }
0x70: {  	_ =	shalt  }
0x71: {  	_ =	shalt  }
0x72: {  	_ =	shalt  }
0x73: {  	_ =	shalt  }
0x74: {  	_ =	shalt  }
0x75: {  	_ =	shalt  }
0x76: {  	_ =	shalt  }
0x77: {  	_ =	shalt  }
0x78: {  	_ =	shalt  }
0x79: {  	_ =	shalt  }
0x7a: {  	_ =	shalt  }
0x7b: {  	_ =	shalt  }
0x7c: {  	_ =	shalt  }
0x7d: {  	_ =	shalt  }
0x7e: {  	_ =	shalt  }
0x7f: {  	_ =	shalt  }
0x80: {  	_ =	shalt  }
0x81: {  	_ =	shalt  }
0x82: {  	_ =	shalt  }
0x83: {  	_ =	shalt  }
0x84: {  	_ =	shalt  }
0x85: {  	_ =	shalt  }
0x86: {  	_ =	shalt  }
0x87: {  	_ =	shalt  }
.Lfunc_end0:
.L_simem_size_0:
called_computation_lowered:
.L_overlay_start_0:
0x88: {  	s2 =	sld [smem:$0x3FD9]  }
0x89: {  	s3 =	sld [smem:$0x3FFE];
	_ =	sdelay $0x1  }
0x8a: {  	s1 =	srdreg.scid  }
0x8b: {  	s0 =	sand.u32 $0x1, s1  }
0x8c: {  	s16 =	sshll.u32 s0, $0xA;
	s2 =	sadd.s32 s3, s2  }
0x8d: {  	s2 =	sadd.s32 s2, s16  }
0x8e: {  	[smem:$0x3FBC] =	sst s2  }
0x8f: {  	_ = 	snop  }
0x90: {  	(tm) =	ssettm $0x1  }
0x91: {  	s17 =	sld [smem:$0x3FFB];
	_ =	sdelay $0x3  }
0x92: {  	_ =	strace s17  }
0x93: {  	s2 =	sld [smem:$0x3FFC];
	_ =	sdelay $0x3  }
0x94: {  	_ =	strace s2  }
0x95: {  	s2 =	sld [smem:$0x3FFD];
	_ =	sdelay $0x3  }
0x96: {  	_ =	strace s2  }
0x97: {  	_ =	strace $0x8FFFFFFF  }
0x98: {  	s18 =	sld [smem:$0x3FDB];
	_ =	sdelay $0x1  }
0x99: {  	s19 =	simm.s32 $_scs_section_size  }
0x9a: {  	s4 =	simm.s32 $_size__tile_overlayer_lowered;
	s5 =	simm.s32 $_tile_overlayer_lowered  }
0x9b: {  	s22 =	simm.s32 $0x1BFF;
	s21 =	sshll.u32 s5, $0x1;
	s2 =	sadd.s32 s19, s18  }
0x9c: {  	s6 =	simm.s32 $0x0;
	s20 =	sshll.u32 s4, $0x1;
	s4 =	sadd.s32 s21, s2  }
0x9d: {  	[timem:s6], [sflag:s22] =	dma.local [hbm:s4], s20  }
0x9e: {  	_ =	swait.ge [sflag:s22], s20  }
0x9f: {  	s3 =	ssub.s32 $0x0, s20;
	[sflag:s22] =	ssyncset.done $0x0  }
0xa0: {  	[sflag:s22] =	ssyncadd.s32 s3;
	_ =	sdelay $0x1  }
0xa1: {  	s23 =	simm.s32 $0x1B8B  }
0xa2: {  	_ =	swait.ge [sflag:s23], $0x1  }
0xa3: {  	[sflag:s23] =	ssyncset.done $0x0  }
0xa4: {  	s25 =	simm.s32 $0x1B8E;
	s24 =	sld [smem:$0x3FFE];
	[sflag:s23] =	ssyncadd.s32 $0xFFFFFFFF  }
0xa5: {  	s26 =	simm.s32 $execute0_lowered;
	[smem:$0x3FD2] =	sst s25  }
0xa6: {  	s4 =	sshll.u32 s26, $0x1;
	_ =	strace $0x80000046;
	[dreg:$0x1] =	wrdreg $0xFFFFFFFF  }
0xa7: {  	s28 =	simm.s32 $_size_execute0_lowered;
	s2 =	sadd.s32 s2, s4;
	[dreg:$0x0] =	wrdreg $0x0  }
0xa8: {  	s4 =	sshll.u32 s28, $0x1;
	[dreg:$0x2] =	wrdreg s2  }
0xa9: {  	[dreg:$0x3] =	wrdreg s4  }
0xaa: {  	[dreg:$0x4] =	wrdreg $0xC0  }
0xab: {  	_ =	task [dreg:s6], $0x5FFFF  }
0xac: {  	[dreg:$0x1] =	wrdreg $0xFFFFFFFF  }
0xad: {  	[dreg:$0x0] =	wrdreg $0x60  }
0xae: {  	[dreg:$0x2] =	wrdreg s24  }
0xaf: {  	[dreg:$0x3] =	wrdreg $0x9  }
0xb0: {  	_ =	task.clear_ibuf [dreg:s6], $0x4FFFF;
	_ =	strace $0x90000046  }
0xb1: {  	s29 =	simm.s32 $0x9;
	_ =	strace $0x80000048  }
0xb2: {  	_ =	swait.ge [sflag:s29], $0x1  }
0xb3: {  	[sflag:s29] =	ssyncadd.s32 $0xFFFFFFFF  }
0xb4: {  	_ =	strace $0x90000048  }
0xb5: {  	_ =	sfence  }
0xb6: {  	s30 =	sld [smem:$0x0];
	_ =	sdelay $0x2  }
0xb7: {  	s31 =	sshll.u32 s1, $0xD;
	s1 =	sshrl.u32 s1, $0x2  }
0xb8: {  	s3 =	sand.u32 $0x4000, s31;
	s1 =	sadd.s32 s1, s30  }
0xb9: {  	s0 =	sor.u32 s3, s0;
	s1 =	sshll.u32 s1, $0x11  }
0xba: {  	s0 =	sor.u32 s1, s0  }
0xbb: {  	s0 =	sadd.s32 $0x8F2B, s0  }
0xbc: {  	[sflag:s0] =	ssyncadd.remote.s32 $0x1  }
0xbd: {  	_ =	sfence.sel $0xFFFF  }
0xbe: {  	[dreg:$0x0] =	wrdreg $0xFFFFFFFF;
	(pc) =	sbr.abs _section_cstart, $3  }
0xbf: {  	[dreg:$0x1] =	wrdreg $0xFFFFFFFF  }
0xc0: {  	_ =	task.clear_ibuf [dreg:s6], $0x2FFFF;
	_ =	strace $0x9FFFFFFF  }
0xc1: {  	(tm) =	ssettm $0x7FFFFFFF  }
tec
execute0_lowered:
.L_overlay_start_1:
0x0: {  	(tag) =	ssettag $0x1  }
0x1: {  	s0 =	srdreg.scid  }
0x2: {  	s3 =	sand.u32 $0x1, s0  }
0x3: {  	s4 =	rddreg [dreg:$0x0];
	s0 =	stileid.u32;
	s1 =	sshll.u32 s3, $0x4  }
0x4: {  	s2 =	simm.s32 $0x0;
	s8 =	simm.s32 $0x80;
	s5 =	sor.u32 s0, s1  }
0x5: {  	s9 =	simm.s32 $0x400;
	[smem:$0x7FF] =	sst s2;
	s6 =	sshrl.u32 s5, $0x3  }
0x6: {  	s7 =	sshll.u32 s0, $0x7;
	s3 =	ssub.s32 $0x2, s3;
	s6 =	smul.u32 $0x14000, s6  }
0x7: {  	s1 =	rddreg [dreg:$0x1];
	s7 =	sand.u32 $0x380, s7;
	s5 =	smul.u32 $0x500, s5  }
0x8: {  	_ =	strace $0x80000047;
	s30 =	sshrl.u32 s3, $0x1;
	s6 =	sor.u32 s7, s6  }
0x9: {  	s31 =	ssub.s32 s3, s30;
	s5 =	sadd.s32 s5, s4;
	s6 =	sshrl.u32 s6, $0x3  }
0xa: {  	s3 =	sadd.s32 $0xE600, s5;
	s5 =	smax.u32 s31, $0x1;
	s4 =	sadd.s32 s6, s4  }
0xb: {  	v0 =	vimm.f32 $0.0e+00;
	v1 =	vimm.f32 $1.000000000e+00;
	s7 =	simm.s32 $0x2800;
	s6 =	simm.s32 $0x1;
	s4 =	sadd.s32 $0x18600, s4  }
.LBB2_1:
0xc: {  	s10 =	simm.s32 $0x40;
	s11 =	simm.s32 $0x0  }
.LBB2_2:
0xd: {  	p0 =	sne.s32 s10, $0x9FC0;
	[tilespmem:s11+$0x2800] =	vst v0;
	s11 =	smov.u32 s10;
	s10 =	sadd.s32 $0x40, s10  }
.Ltmp0:
0xe: {  	(pc) =	sbr.rel @p0 .LBB2_2-.Ltmp0, $2  }
0xf: {  	_ =	sdelay $0x2  }
0x10: {  	s11 =	sshra.s32 s11, $0x2  }
0x11: {  	[tilespmem:s11+$0x2800] =	vst v0;
	s10 =	simm.s32 $0x0  }
0x12: {  	[tilespmem:s10], [sflag:$0x1] =	stream.linear.gather [hbm4b:s3+s10], $0x2800, $0x38;
	[tilespmem:$0x5000] =	vst v63  }
0x13: {  	_ =	swait.ge [sflag:s6], $0x2800  }
0x14: {  	[sflag:s6] =	ssyncset.done $0x0  }
0x15: {  	[sflag:s6] =	ssyncadd.s32 $0xFFFFD800  }
.LBB2_4:
0x16: {  	s11 =	sshra.s32 s10, $0x2  }
0x17: {  	v2 =	vld [tilespmem:s11+$0x0];
	_ =	sdelay $0x7  }
0x18: {  	[tilespmem:v2+s7+$0x0] =	vst.idx.add.f32.msk $0xffff, v1  }
0x19: {  	v2 =	vld [tilespmem:s11+$0x10];
	_ =	sdelay $0x7  }
0x1a: {  	[tilespmem:v2+s7+$0x0] =	vst.idx.add.f32.msk $0xffff, v1  }
0x1b: {  	v2 =	vld [tilespmem:s11+$0x20];
	_ =	sdelay $0x7  }
0x1c: {  	[tilespmem:v2+s7+$0x0] =	vst.idx.add.f32.msk $0xffff, v1  }
0x1d: {  	v2 =	vld [tilespmem:s11+$0x30];
	_ =	sdelay $0x7  }
0x1e: {  	[tilespmem:v2+s7+$0x0] =	vst.idx.add.f32.msk $0xffff, v1  }
0x1f: {  	v2 =	vld [tilespmem:s11+$0x40];
	_ =	sdelay $0x7  }
0x20: {  	[tilespmem:v2+s7+$0x0] =	vst.idx.add.f32.msk $0xffff, v1  }
0x21: {  	v2 =	vld [tilespmem:s11+$0x50];
	_ =	sdelay $0x7  }
0x22: {  	[tilespmem:v2+s7+$0x0] =	vst.idx.add.f32.msk $0xffff, v1  }
0x23: {  	v2 =	vld [tilespmem:s11+$0x60];
	_ =	sdelay $0x7  }
0x24: {  	[tilespmem:v2+s7+$0x0] =	vst.idx.add.f32.msk $0xffff, v1  }
0x25: {  	v2 =	vld [tilespmem:s11+$0x70];
	_ =	sdelay $0x2  }
0x26: {  	p0 =	sne.s32 s10, $0x9E00  }
.Ltmp1:
0x27: {  	_ = 	snop;
	(pc) =	sbr.rel @p0 .LBB2_4-.Ltmp1, $2  }
0x28: {  	_ =	sdelay $0x2  }
0x29: {  	s10 =	sadd.s32 $0x200, s10;
	[tilespmem:v2+s7+$0x0] =	vst.idx.add.f32.msk $0xffff, v1  }
0x2a: {  	s2 =	sadd.s32 $0x1, s2  }
0x2b: {  	p0 =	sne.s32 s2, s5  }
.Ltmp2:
0x2c: {  	_ = 	snop;
	(pc) =	sbr.rel @p0 .LBB2_1-.Ltmp2, $4  }
0x2d: {  	[hbm4b:s4+s8] =	stream.strided.scatter [tilespmem:s7], [sflag:$0x1], $0x2800, s9, s8, $0x38;
	[tilespmem:$0x5000] =	vst v63  }
0x2e: {  	_ =	swait.ge [sflag:s6], $0x2800  }
0x2f: {  	[sflag:s6] =	ssyncset.done $0x0  }
0x30: {  	[sflag:s6] =	ssyncadd.s32 $0xFFFFD800  }
0x31: {  	_ =	sfence.sel $0x180000  }
0x32: {  	[bflag:$0x0] =	sbarrier.arrive $0xFFFF  }
0x33: {  	p0 =	sne.s32 s0, $0x0;
	_ =	strace $0x90000047  }
0x34: {  	s0 =	sadd.s32 @!p0 $0x100000, s1;
	[bflag:$0x2] =	sbarrier.arrive $0xFFFF  }
0x35: {  	[sflag:s0] =	ssyncadd.tile.s32 @!p0 $0x1;
	_ =	shalt  }
.Lfunc_end2:
_tile_overlayer_lowered:
.L_overlay_start_2:
0x36: {  	(tag) =	ssettag $0x2  }
0x37: {  	s0 =	rddreg [dreg:$0x0];
	s2 =	stileid.u32  }
0x38: {  	s1 =	rddreg [dreg:$0x1];
	p0 =	sne.s32 s2, $0x0  }
0x39: {  	s3 =	rddreg [dreg:$0x2];
	[bflag:$0x3] =	sbarrier.arrive $0xFFFF;
	s2 =	simm.s32 @!p0 $0x1C01  }
0x3a: {  	[timem:s3], [sflag:s2] =	dma.local @!p0 [hbm:s0], s1  }
0x3b: {  	s0 =	simm.s32 @!p0 $0x1  }
0x3c: {  	_ =	swait.ge @!p0 [sflag:s0], s1  }
0x3d: {  	s1 =	ssub.s32 @!p0 $0x0, s1;
	[sflag:s0] =	ssyncset.done @!p0 $0x0  }
0x3e: {  	[sflag:s0] =	ssyncadd.s32 @!p0 s1  }
0x3f: {  	[bflag:$0x3] =	sbarrier.arrive $0xFFFF  }
0x40: {  	_ =	shalt  }

// kernel: kernel.14.cloned.1.call-start
scs
__scs_entry_jumppad:
0x0: {  	(pc) =	sbr.rel $0x88, $3  }
0x1: {  	(tag) =	ssettag $0x0;
	lr =	simm.s32 $0x1  }
0x2: {  	[smem:$0x3F95] =	sst lr;
	_ =	strace $0xD0000000  }
0x3: {  	_ = 	snop  }
0x4: {  	_ = 	snop  }
0x5: {  	_ = 	snop  }
0x6: {  	_ = 	snop  }
0x7: {  	_ = 	snop  }
__scs_overlays_trampoline_lowered:
0x8: {  	[smem:$0x3FA4] =	sst s0  }
0x9: {  	[smem:$0x3FA5] =	sst s1  }
0xa: {  	[smem:$0x3FA6] =	sst s2  }
0xb: {  	[smem:$0x3FA7] =	sst s3  }
0xc: {  	[smem:$0x3FA8] =	sst s4  }
0xd: {  	[smem:$0x3FA9] =	sst s5  }
0xe: {  	[smem:$0x3FAA] =	sst s6  }
0xf: {  	[smem:$0x3FAB] =	sst s7  }
0x10: {  	[smem:$0x3FAC] =	sst s8  }
0x11: {  	[smem:$0x3FAD] =	sst s9;
	s0 =	simm.s32 @!p0 $0x0  }
0x12: {  	s1 =	sld [smem:$0x3F93];
	s0 =	simm.s32 @p0 $0x1  }
0x13: {  	[smem:$0x3FAE] =	sst s0;
	s0 =	simm.s32 @!p1 $0x0  }
0x14: {  	s2 =	sld [smem:$0x3F92];
	s0 =	simm.s32 @p1 $0x1  }
0x15: {  	[smem:$0x3FAF] =	sst s0;
	s0 =	simm.s32 @!p2 $0x0  }
0x16: {  	s3 =	sld [smem:$0x3FDB];
	s0 =	simm.s32 @p2 $0x1  }
0x17: {  	s4 =	simm.s32 $0x1BF5;
	[smem:$0x3FB1] =	sst s0  }
0x18: {  	s0 =	sld [smem:$0x3F94];
	_ =	swait.ge [sflag:s4], $0x0  }
0x19: {  	s7 =	sld [smem:$0x3F95]  }
0x1a: {  	s8 =	sadd.s32 $0xFFFFE003, lr  }
0x1b: {  	s9 =	sadd.s32 $0xFFFFFEF7, lr;
	s5 =	simm.s32 $0xFFFFFFFF;
	p2 =	slt.u32 s8, $0xFFFFF086  }
0x1c: {  	p1 =	slt.u32 s9, $0xF7A;
	s5 =	simm.s32 @!p2 $0x0  }
0x1d: {  	s5 =	simm.s32 @p1 $0x1;
	p0 =	seq.s32 s7, s2  }
0x1e: {  	s7 =	smul.u32 @!p0 $0xF7A, s2;
	p2 =	seq.s32 @!p0 s5, $0x0  }
0x1f: {  	s9 =	smul.u32 $0xF7A, s1;
	s8 =	simm.s32 @!p0 $0x1BF5;
	p2 =	por !p2, p0  }
0x20: {  	[sflag:s8] =	ssyncset.s32 @!p0 $0xFFFFF086;
	s6 =	sadd.s32 @!p0 s3, s7;
	s7 =	simm.s32 @!p0 $0x108  }
0x21: {  	s3 =	sadd.s32 s3, s9;
	s6 =	sadd.s32 @!p0 $0x88, s6;
	s7 =	simm.s32 @p2 $0x1082  }
0x22: {  	[simem:s7], [sflag:s8] =	dma.local @!p0 [hbm:s6], $0xF7A  }
0x23: {  	s9 =	sor.u32 $0xD0000000, s2;
	s6 =	simm.s32 $0x108;
	_ =	swait.ge @!p0 [sflag:s8], $0x0  }
0x24: {  	s3 =	sadd.s32 $0x88, s3;
	s6 =	simm.s32 @!p1 $0x1082;
	[sflag:s4] =	ssyncset.s32 $0xFFFFF086  }
0x25: {  	[simem:s6], [sflag:s4] =	dma.local [hbm:s3], $0xF7A  }
0x26: {  	[smem:$0x3F95] =	sst s1;
	(tag) =	ssettag s2;
	_ =	strace s9  }
0x27: {  	s1 =	sld [smem:$0x3FA5]  }
0x28: {  	s2 =	sld [smem:$0x3FA6]  }
0x29: {  	s4 =	sld [smem:$0x3FA8]  }
0x2a: {  	p0 =	seq.s32 s5, $0x0;
	s5 =	sld [smem:$0x3FA9]  }
0x2b: {  	s6 =	sld [smem:$0x3FAA]  }
0x2c: {  	s7 =	sld [smem:$0x3FAB]  }
0x2d: {  	s3 =	simm.s32 $0x108;
	s8 =	sld [smem:$0x3FAC]  }
0x2e: {  	s3 =	simm.s32 @!p0 $0x1082;
	s9 =	sld [smem:$0x3FAD]  }
0x2f: {  	lr =	sadd.s32 s0, s3;
	s0 =	sld [smem:$0x3FA4]  }
0x30: {  	s3 =	sld [smem:$0x3FA7]  }
0x31: {  	[smem:$0x3FB0] =	sst s10  }
0x32: {  	s10 =	sld [smem:$0x3FAE];
	_ =	sdelay $0x3  }
0x33: {  	p0 =	seq.s32 s10, $0x1;
	s10 =	sld [smem:$0x3FB0];
	_ =	sdelay $0x3  }
0x34: {  	[smem:$0x3FB0] =	sst s10  }
0x35: {  	s10 =	sld [smem:$0x3FAF];
	_ =	sdelay $0x3  }
0x36: {  	p1 =	seq.s32 s10, $0x1;
	s10 =	sld [smem:$0x3FB0];
	_ =	sdelay $0x3  }
0x37: {  	[smem:$0x3FB0] =	sst s10  }
0x38: {  	s10 =	sld [smem:$0x3FB1]  }
0x39: {  	_ = 	snop;
	(pc) =	sbr.ind lr, $3  }
0x3a: {  	_ = 	snop  }
0x3b: {  	_ = 	snop  }
0x3c: {  	p2 =	seq.s32 s10, $0x1;
	s10 =	sld [smem:$0x3FB0]  }
0x3d: {  	_ =	shalt  }
0x3e: {  	_ =	shalt  }
0x3f: {  	_ =	shalt  }
0x40: {  	_ =	shalt  }
0x41: {  	_ =	shalt  }
0x42: {  	_ =	shalt  }
0x43: {  	_ =	shalt  }
0x44: {  	_ =	shalt  }
0x45: {  	_ =	shalt  }
0x46: {  	_ =	shalt  }
0x47: {  	_ =	shalt  }
0x48: {  	_ =	shalt  }
0x49: {  	_ =	shalt  }
0x4a: {  	_ =	shalt  }
0x4b: {  	_ =	shalt  }
0x4c: {  	_ =	shalt  }
0x4d: {  	_ =	shalt  }
0x4e: {  	_ =	shalt  }
0x4f: {  	_ =	shalt  }
0x50: {  	_ =	shalt  }
0x51: {  	_ =	shalt  }
0x52: {  	_ =	shalt  }
0x53: {  	_ =	shalt  }
0x54: {  	_ =	shalt  }
0x55: {  	_ =	shalt  }
0x56: {  	_ =	shalt  }
0x57: {  	_ =	shalt  }
0x58: {  	_ =	shalt  }
0x59: {  	_ =	shalt  }
0x5a: {  	_ =	shalt  }
0x5b: {  	_ =	shalt  }
0x5c: {  	_ =	shalt  }
0x5d: {  	_ =	shalt  }
0x5e: {  	_ =	shalt  }
0x5f: {  	_ =	shalt  }
0x60: {  	_ =	shalt  }
0x61: {  	_ =	shalt  }
0x62: {  	_ =	shalt  }
0x63: {  	_ =	shalt  }
0x64: {  	_ =	shalt  }
0x65: {  	_ =	shalt  }
0x66: {  	_ =	shalt  }
0x67: {  	_ =	shalt  }
0x68: {  	_ =	shalt  }
0x69: {  	_ =	shalt  }
0x6a: {  	_ =	shalt  }
0x6b: {  	_ =	shalt  }
0x6c: {  	_ =	shalt  }
0x6d: {  	_ =	shalt  }
0x6e: {  	_ =	shalt  }
0x6f: {  	_ =	shalt  }
0x70: {  	_ =	shalt  }
0x71: {  	_ =	shalt  }
0x72: {  	_ =	shalt  }
0x73: {  	_ =	shalt  }
0x74: {  	_ =	shalt  }
0x75: {  	_ =	shalt  }
0x76: {  	_ =	shalt  }
0x77: {  	_ =	shalt  }
0x78: {  	_ =	shalt  }
0x79: {  	_ =	shalt  }
0x7a: {  	_ =	shalt  }
0x7b: {  	_ =	shalt  }
0x7c: {  	_ =	shalt  }
0x7d: {  	_ =	shalt  }
0x7e: {  	_ =	shalt  }
0x7f: {  	_ =	shalt  }
0x80: {  	_ =	shalt  }
0x81: {  	_ =	shalt  }
0x82: {  	_ =	shalt  }
0x83: {  	_ =	shalt  }
0x84: {  	_ =	shalt  }
0x85: {  	_ =	shalt  }
0x86: {  	_ =	shalt  }
0x87: {  	_ =	shalt  }
.Lfunc_end0:
.L_simem_size_0:
called_computation.1_lowered:
.L_overlay_start_0:
0x88: {  	s2 =	sld [smem:$0x3FD9]  }
0x89: {  	s3 =	sld [smem:$0x3FFE];
	_ =	sdelay $0x1  }
0x8a: {  	s1 =	srdreg.scid  }
0x8b: {  	s0 =	sand.u32 $0x1, s1  }
0x8c: {  	s16 =	sshll.u32 s0, $0xA;
	s2 =	sadd.s32 s3, s2  }
0x8d: {  	s2 =	sadd.s32 s2, s16  }
0x8e: {  	[smem:$0x3FBC] =	sst s2  }
0x8f: {  	_ = 	snop  }
0x90: {  	(tm) =	ssettm $0x1  }
0x91: {  	s17 =	sld [smem:$0x3FFB];
	_ =	sdelay $0x3  }
0x92: {  	_ =	strace s17  }
0x93: {  	s2 =	sld [smem:$0x3FFC];
	_ =	sdelay $0x3  }
0x94: {  	_ =	strace s2  }
0x95: {  	s2 =	sld [smem:$0x3FFD];
	_ =	sdelay $0x3  }
0x96: {  	_ =	strace s2  }
0x97: {  	_ =	strace $0x8FFFFFFF  }
0x98: {  	s18 =	sld [smem:$0x3FDB];
	_ =	sdelay $0x1  }
0x99: {  	s19 =	simm.s32 $_scs_section_size  }
0x9a: {  	s4 =	simm.s32 $_size__tile_overlayer_lowered;
	s5 =	simm.s32 $_tile_overlayer_lowered  }
0x9b: {  	s22 =	simm.s32 $0x1BFF;
	s21 =	sshll.u32 s5, $0x1;
	s2 =	sadd.s32 s19, s18  }
0x9c: {  	s6 =	simm.s32 $0x0;
	s20 =	sshll.u32 s4, $0x1;
	s4 =	sadd.s32 s21, s2  }
0x9d: {  	[timem:s6], [sflag:s22] =	dma.local [hbm:s4], s20  }
0x9e: {  	_ =	swait.ge [sflag:s22], s20  }
0x9f: {  	s3 =	ssub.s32 $0x0, s20;
	[sflag:s22] =	ssyncset.done $0x0  }
0xa0: {  	[sflag:s22] =	ssyncadd.s32 s3;
	_ =	sdelay $0x1  }
0xa1: {  	s23 =	simm.s32 $0x1B8B  }
0xa2: {  	_ =	swait.ge [sflag:s23], $0x1  }
0xa3: {  	[sflag:s23] =	ssyncset.done $0x0  }
0xa4: {  	s25 =	simm.s32 $0x1B8E;
	s24 =	sld [smem:$0x3FFE];
	[sflag:s23] =	ssyncadd.s32 $0xFFFFFFFF  }
0xa5: {  	s26 =	simm.s32 $execute0_lowered;
	[smem:$0x3FD2] =	sst s25  }
0xa6: {  	s4 =	sshll.u32 s26, $0x1;
	_ =	strace $0x80000049;
	[dreg:$0x1] =	wrdreg $0xFFFFFFFF  }
0xa7: {  	s28 =	simm.s32 $_size_execute0_lowered;
	s2 =	sadd.s32 s2, s4;
	[dreg:$0x0] =	wrdreg $0x0  }
0xa8: {  	s4 =	sshll.u32 s28, $0x1;
	[dreg:$0x2] =	wrdreg s2  }
0xa9: {  	[dreg:$0x3] =	wrdreg s4  }
0xaa: {  	[dreg:$0x4] =	wrdreg $0xC0  }
0xab: {  	_ =	task [dreg:s6], $0x5FFFF  }
0xac: {  	[dreg:$0x1] =	wrdreg $0xFFFFFFFF  }
0xad: {  	[dreg:$0x0] =	wrdreg $0x60  }
0xae: {  	[dreg:$0x2] =	wrdreg s24  }
0xaf: {  	[dreg:$0x3] =	wrdreg $0x90000  }
0xb0: {  	[dreg:$0x4] =	wrdreg $0x9  }
0xb1: {  	_ =	task.clear_ibuf [dreg:s6], $0x5FFFF;
	_ =	strace $0x90000049  }
0xb2: {  	s29 =	simm.s32 $0x9;
	_ =	strace $0x8000004B  }
0xb3: {  	_ =	swait.ge [sflag:s29], $0x1  }
0xb4: {  	[sflag:s29] =	ssyncadd.s32 $0xFFFFFFFF  }
0xb5: {  	_ =	strace $0x9000004B  }
0xb6: {  	_ =	sfence  }
0xb7: {  	s30 =	sld [smem:$0x0];
	_ =	sdelay $0x2  }
0xb8: {  	s31 =	sshll.u32 s1, $0xD;
	s1 =	sshrl.u32 s1, $0x2  }
0xb9: {  	s3 =	sand.u32 $0x4000, s31;
	s1 =	sadd.s32 s1, s30  }
0xba: {  	s0 =	sor.u32 s3, s0;
	s1 =	sshll.u32 s1, $0x11  }
0xbb: {  	s0 =	sor.u32 s1, s0  }
0xbc: {  	s0 =	sadd.s32 $0x8F2B, s0  }
0xbd: {  	[sflag:s0] =	ssyncadd.remote.s32 $0x1  }
0xbe: {  	_ =	sfence.sel $0xFFFF  }
0xbf: {  	[dreg:$0x0] =	wrdreg $0xFFFFFFFF;
	(pc) =	sbr.abs _section_cstart, $3  }
0xc0: {  	[dreg:$0x1] =	wrdreg $0xFFFFFFFF  }
0xc1: {  	_ =	task.clear_ibuf [dreg:s6], $0x2FFFF;
	_ =	strace $0x9FFFFFFF  }
0xc2: {  	(tm) =	ssettm $0x7FFFFFFF  }
0xc3: {  	_ =	shalt  }
tec
execute0_lowered:
.L_overlay_start_1:
0x0: {  	(tag) =	ssettag $0x1  }
0x1: {  	s7 =	rddreg [dreg:$0x0]  }
0x2: {  	s0 =	srdreg.scid;
	s2 =	rddreg [dreg:$0x1]  }
0x3: {  	s3 =	simm.s32 $0x0;
	s14 =	simm.s32 $0x80;
	s15 =	simm.s32 $0x5000  }
0x4: {  	s16 =	simm.s32 $0x1;
	s6 =	sand.u32 $0x1, s0;
	s0 =	stileid.u32  }
0x5: {  	s17 =	simm.s32 $0x0;
	[smem:$0x7FF] =	sst s3;
	s8 =	smul.u32 $0x140000, s6  }
0x6: {  	s4 =	sadd.s32 $0x18600, s7;
	s1 =	sshll.u32 s6, $0x4;
	s9 =	smul.u32 $0x14000, s0  }
0x7: {  	s28 =	smul.u32 $0x50000, s0;
	s6 =	ssub.s32 $0x2, s6;
	s1 =	sor.u32 s0, s1  }
0x8: {  	s31 =	sshll.u32 s0, $0x6;
	s29 =	sshrl.u32 s6, $0x1;
	s5 =	smul.u32 $0x500, s1  }
0x9: {  	s1 =	rddreg [dreg:$0x2];
	_ =	strace $0x8000004A;
	s8 =	sadd.s32 s9, s8  }
0xa: {  	s30 =	sshrl.u32 s28, $0x2;
	s12 =	ssub.s32 s6, s29;
	s6 =	sor.u32 $0x1C02, s31  }
0xb: {  	s8 =	sshrl.u32 s8, $0x3;
	s13 =	sadd.s32 s30, s2;
	s10 =	sadd.s32 s5, s7  }
0xc: {  	s5 =	sadd.s32 $0x40600, s7;
	s11 =	sadd.s32 s8, s7;
	s7 =	sadd.s32 $0x4600, s10  }
0xd: {  	s8 =	sadd.s32 $0xE600, s10;
	s9 =	sadd.s32 $0x42E00, s11;
	s10 =	smax.u32 s12, $0x1  }
0xe: {  	s11 =	sshrl.u32 s13, $0x3;
	s12 =	simm.s32 $0x2;
	s13 =	simm.s32 $0x2800  }
.LBB2_1:
0xf: {  	[spmem:s11], [sflag:s6] =	dma.local [hbm:s5], $0x2800  }
0x10: {  	_ =	swait.ge [sflag:s12], $0x2800  }
0x11: {  	[sflag:s12] =	ssyncset.done $0x0  }
0x12: {  	[sflag:s12] =	ssyncadd.s32 $0xFFFFD800  }
0x13: {  	[tilespmem:s3], [sflag:$0x2] =	stream.linear.gather [hbm4b:s7+s3], $0x2800, $0x38;
	[tilespmem:$0x1D000] =	vst v63  }
0x14: {  	_ =	swait.ge [sflag:s12], $0x2800  }
0x15: {  	[sflag:s12] =	ssyncset.done $0x0  }
0x16: {  	[sflag:s12] =	ssyncadd.s32 $0xFFFFD800  }
0x17: {  	[tilespmem:s13], [sflag:$0x2] =	stream.linear.gather [hbm4b:s8+s3], $0x2800, $0x38;
	[tilespmem:$0x1D000] =	vst v63  }
0x18: {  	_ =	swait.ge [sflag:s12], $0x2800  }
0x19: {  	[sflag:s12] =	ssyncset.done $0x0  }
0x1a: {  	[sflag:s12] =	ssyncadd.s32 $0xFFFFD800  }
0x1b: {  	s18 =	simm.s32 $0x0;
	[bflag:$0x0] =	sbarrier.arrive $0xFFFF  }
0x1c: {  	[tilespmem:s15], [sflag:$0x1] =	stream.indirect.gather [hbm4b:s4+s14], $0x80, s18, s14, $0xb8;
	[tilespmem:$0x1D000] =	vst v63  }
0x1d: {  	_ =	swait.ge [sflag:s16], $0x4000  }
0x1e: {  	[sflag:s16] =	ssyncset.done $0x0  }
0x1f: {  	s31 =	simm.s32 $0x2800;
	[sflag:s16] =	ssyncadd.s32 $0xFFFFC000  }
0x20: {  	[spmem:s2] =	stream.indirect.scatter.add.f32 [tilespmem:s15], [sflag:$0x2], $0x80, s31, s14, $0xb8;
	[tilespmem:$0x1D000] =	vst v63  }
0x21: {  	_ =	swait.ge [sflag:s12], $0x4000  }
0x22: {  	s19 =	simm.s32 $0x400;
	s18 =	simm.s32 $0x200;
	[sflag:s12] =	ssyncset.done $0x0  }
.LBB2_2:
0x23: {  	s20 =	sshra.s32 s18, $0x2  }
0x24: {  	[sflag:s12] =	ssyncadd.s32 $0xFFFFC000;
	s18 =	smov.u32 s19;
	s21 =	sadd.s32 $0x200, s19  }
0x25: {  	[tilespmem:s15], [sflag:$0x1] =	stream.indirect.gather [hbm4b:s4+s14], $0x80, s20, s14, $0xb8;
	[tilespmem:$0x1D000] =	vst v63  }
0x26: {  	p0 =	sne.s32 s19, $0x9E00;
	_ =	swait.ge [sflag:s16], $0x4000  }
.Ltmp0:
0x27: {  	[sflag:s16] =	ssyncset.done $0x0;
	(pc) =	sbr.rel @p0 .LBB2_2-.Ltmp0, $4  }
0x28: {  	s19 =	sadd.s32 $0x2800, s20;
	[sflag:s16] =	ssyncadd.s32 $0xFFFFC000  }
0x29: {  	[spmem:s2] =	stream.indirect.scatter.add.f32 [tilespmem:s15], [sflag:$0x2], $0x80, s19, s14, $0xb8;
	[tilespmem:$0x1D000] =	vst v63  }
0x2a: {  	_ =	swait.ge [sflag:s12], $0x4000  }
0x2b: {  	s19 =	smov.u32 s21;
	[sflag:s12] =	ssyncset.done $0x0  }
0x2c: {  	s18 =	sshra.s32 s18, $0x2;
	[sflag:s12] =	ssyncadd.s32 $0xFFFFC000  }
0x2d: {  	[tilespmem:s15], [sflag:$0x1] =	stream.indirect.gather [hbm4b:s4+s14], $0x80, s18, s14, $0xb8;
	[tilespmem:$0x1D000] =	vst v63  }
0x2e: {  	_ =	swait.ge [sflag:s16], $0x4000  }
0x2f: {  	[sflag:s16] =	ssyncset.done $0x0  }
0x30: {  	s18 =	sadd.s32 $0x2800, s18;
	[sflag:s16] =	ssyncadd.s32 $0xFFFFC000  }
0x31: {  	[spmem:s2] =	stream.indirect.scatter.add.f32 [tilespmem:s15], [sflag:$0x2], $0x80, s18, s14, $0xb8;
	[tilespmem:$0x1D000] =	vst v63  }
0x32: {  	_ =	swait.ge [sflag:s12], $0x4000  }
0x33: {  	s17 =	sadd.s32 $0x1, s17;
	[sflag:s12] =	ssyncset.done $0x0  }
0x34: {  	p0 =	sne.s32 s17, s10;
	[sflag:s12] =	ssyncadd.s32 $0xFFFFC000  }
.Ltmp1:
0x35: {  	[bflag:$0x0] =	sbarrier.arrive $0xFFFF;
	(pc) =	sbr.rel @p0 .LBB2_1-.Ltmp1, $4  }
0x36: {  	[hbm:s9], [sflag:s6] =	dma.local [spmem:s11], $0x2800  }
0x37: {  	_ =	swait.ge [sflag:s12], $0x2800  }
0x38: {  	[sflag:s12] =	ssyncset.done $0x0  }
0x39: {  	[sflag:s12] =	ssyncadd.s32 $0xFFFFD800  }
0x3a: {  	_ =	sfence.sel $0x180000  }
0x3b: {  	[bflag:$0x0] =	sbarrier.arrive $0xFFFF  }
0x3c: {  	p0 =	sne.s32 s0, $0x0;
	_ =	strace $0x9000004A  }
0x3d: {  	s0 =	sadd.s32 @!p0 $0x100000, s1;
	[bflag:$0x2] =	sbarrier.arrive $0xFFFF  }
0x3e: {  	[sflag:s0] =	ssyncadd.tile.s32 @!p0 $0x1;
	_ =	shalt  }
.Lfunc_end2:
_tile_overlayer_lowered:
.L_overlay_start_2:
0x3f: {  	(tag) =	ssettag $0x2  }
0x40: {  	s0 =	rddreg [dreg:$0x0];
	s2 =	stileid.u32  }
0x41: {  	s1 =	rddreg [dreg:$0x1];
	p0 =	sne.s32 s2, $0x0  }
0x42: {  	s3 =	rddreg [dreg:$0x2];
	[bflag:$0x3] =	sbarrier.arrive $0xFFFF;
	s2 =	simm.s32 @!p0 $0x1C02  }
0x43: {  	[timem:s3], [sflag:s2] =	dma.local @!p0 [hbm:s0], s1  }
0x44: {  	s0 =	simm.s32 @!p0 $0x2  }
0x45: {  	_ =	swait.ge @!p0 [sflag:s0], s1  }
0x46: {  	s1 =	ssub.s32 @!p0 $0x0, s1;
	[sflag:s0] =	ssyncset.done @!p0 $0x0  }
0x47: {  	[sflag:s0] =	ssyncadd.s32 @!p0 s1  }
0x48: {  	[bflag:$0x3] =	sbarrier.arrive $0xFFFF  }
0x49: {  	_ =	shalt  }

// kernel: kernel.17.cloned.1.call-start
scs
__scs_entry_jumppad:
0x0: {  	(pc) =	sbr.rel $0x88, $3  }
0x1: {  	(tag) =	ssettag $0x0;
	lr =	simm.s32 $0x1  }
0x2: {  	[smem:$0x3F95] =	sst lr;
	_ =	strace $0xD0000000  }
0x3: {  	_ = 	snop  }
0x4: {  	_ = 	snop  }
0x5: {  	_ = 	snop  }
0x6: {  	_ = 	snop  }
0x7: {  	_ = 	snop  }
__scs_overlays_trampoline_lowered:
0x8: {  	[smem:$0x3FA4] =	sst s0  }
0x9: {  	[smem:$0x3FA5] =	sst s1  }
0xa: {  	[smem:$0x3FA6] =	sst s2  }
0xb: {  	[smem:$0x3FA7] =	sst s3  }
0xc: {  	[smem:$0x3FA8] =	sst s4  }
0xd: {  	[smem:$0x3FA9] =	sst s5  }
0xe: {  	[smem:$0x3FAA] =	sst s6  }
0xf: {  	[smem:$0x3FAB] =	sst s7  }
0x10: {  	[smem:$0x3FAC] =	sst s8  }
0x11: {  	[smem:$0x3FAD] =	sst s9;
	s0 =	simm.s32 @!p0 $0x0  }
0x12: {  	s1 =	sld [smem:$0x3F93];
	s0 =	simm.s32 @p0 $0x1  }
0x13: {  	[smem:$0x3FAE] =	sst s0;
	s0 =	simm.s32 @!p1 $0x0  }
0x14: {  	s2 =	sld [smem:$0x3F92];
	s0 =	simm.s32 @p1 $0x1  }
0x15: {  	[smem:$0x3FAF] =	sst s0;
	s0 =	simm.s32 @!p2 $0x0  }
0x16: {  	s3 =	sld [smem:$0x3FDB];
	s0 =	simm.s32 @p2 $0x1  }
0x17: {  	s4 =	simm.s32 $0x1BF5;
	[smem:$0x3FB1] =	sst s0  }
0x18: {  	s0 =	sld [smem:$0x3F94];
	_ =	swait.ge [sflag:s4], $0x0  }
0x19: {  	s7 =	sld [smem:$0x3F95]  }
0x1a: {  	s8 =	sadd.s32 $0xFFFFE003, lr  }
0x1b: {  	s9 =	sadd.s32 $0xFFFFFEF7, lr;
	s5 =	simm.s32 $0xFFFFFFFF;
	p2 =	slt.u32 s8, $0xFFFFF086  }
0x1c: {  	p1 =	slt.u32 s9, $0xF7A;
	s5 =	simm.s32 @!p2 $0x0  }
0x1d: {  	s5 =	simm.s32 @p1 $0x1;
	p0 =	seq.s32 s7, s2  }
0x1e: {  	s7 =	smul.u32 @!p0 $0xF7A, s2;
	p2 =	seq.s32 @!p0 s5, $0x0  }
0x1f: {  	s9 =	smul.u32 $0xF7A, s1;
	s8 =	simm.s32 @!p0 $0x1BF5;
	p2 =	por !p2, p0  }
0x20: {  	[sflag:s8] =	ssyncset.s32 @!p0 $0xFFFFF086;
	s6 =	sadd.s32 @!p0 s3, s7;
	s7 =	simm.s32 @!p0 $0x108  }
0x21: {  	s3 =	sadd.s32 s3, s9;
	s6 =	sadd.s32 @!p0 $0x88, s6;
	s7 =	simm.s32 @p2 $0x1082  }
0x22: {  	[simem:s7], [sflag:s8] =	dma.local @!p0 [hbm:s6], $0xF7A  }
0x23: {  	s9 =	sor.u32 $0xD0000000, s2;
	s6 =	simm.s32 $0x108;
	_ =	swait.ge @!p0 [sflag:s8], $0x0  }
0x24: {  	s3 =	sadd.s32 $0x88, s3;
	s6 =	simm.s32 @!p1 $0x1082;
	[sflag:s4] =	ssyncset.s32 $0xFFFFF086  }
0x25: {  	[simem:s6], [sflag:s4] =	dma.local [hbm:s3], $0xF7A  }
0x26: {  	[smem:$0x3F95] =	sst s1;
	(tag) =	ssettag s2;
	_ =	strace s9  }
0x27: {  	s1 =	sld [smem:$0x3FA5]  }
0x28: {  	s2 =	sld [smem:$0x3FA6]  }
0x29: {  	s4 =	sld [smem:$0x3FA8]  }
0x2a: {  	p0 =	seq.s32 s5, $0x0;
	s5 =	sld [smem:$0x3FA9]  }
0x2b: {  	s6 =	sld [smem:$0x3FAA]  }
0x2c: {  	s7 =	sld [smem:$0x3FAB]  }
0x2d: {  	s3 =	simm.s32 $0x108;
	s8 =	sld [smem:$0x3FAC]  }
0x2e: {  	s3 =	simm.s32 @!p0 $0x1082;
	s9 =	sld [smem:$0x3FAD]  }
0x2f: {  	lr =	sadd.s32 s0, s3;
	s0 =	sld [smem:$0x3FA4]  }
0x30: {  	s3 =	sld [smem:$0x3FA7]  }
0x31: {  	[smem:$0x3FB0] =	sst s10  }
0x32: {  	s10 =	sld [smem:$0x3FAE];
	_ =	sdelay $0x3  }
0x33: {  	p0 =	seq.s32 s10, $0x1;
	s10 =	sld [smem:$0x3FB0];
	_ =	sdelay $0x3  }
0x34: {  	[smem:$0x3FB0] =	sst s10  }
0x35: {  	s10 =	sld [smem:$0x3FAF];
	_ =	sdelay $0x3  }
0x36: {  	p1 =	seq.s32 s10, $0x1;
	s10 =	sld [smem:$0x3FB0];
	_ =	sdelay $0x3  }
0x37: {  	[smem:$0x3FB0] =	sst s10  }
0x38: {  	s10 =	sld [smem:$0x3FB1]  }
0x39: {  	_ = 	snop;
	(pc) =	sbr.ind lr, $3  }
0x3a: {  	_ = 	snop  }
0x3b: {  	_ = 	snop  }
0x3c: {  	p2 =	seq.s32 s10, $0x1;
	s10 =	sld [smem:$0x3FB0]  }
0x3d: {  	_ =	shalt  }
0x3e: {  	_ =	shalt  }
0x3f: {  	_ =	shalt  }
0x40: {  	_ =	shalt  }
0x41: {  	_ =	shalt  }
0x42: {  	_ =	shalt  }
0x43: {  	_ =	shalt  }
0x44: {  	_ =	shalt  }
0x45: {  	_ =	shalt  }
0x46: {  	_ =	shalt  }
0x47: {  	_ =	shalt  }
0x48: {  	_ =	shalt  }
0x49: {  	_ =	shalt  }
0x4a: {  	_ =	shalt  }
0x4b: {  	_ =	shalt  }
0x4c: {  	_ =	shalt  }
0x4d: {  	_ =	shalt  }
0x4e: {  	_ =	shalt  }
0x4f: {  	_ =	shalt  }
0x50: {  	_ =	shalt  }
0x51: {  	_ =	shalt  }
0x52: {  	_ =	shalt  }
0x53: {  	_ =	shalt  }
0x54: {  	_ =	shalt  }
0x55: {  	_ =	shalt  }
0x56: {  	_ =	shalt  }
0x57: {  	_ =	shalt  }
0x58: {  	_ =	shalt  }
0x59: {  	_ =	shalt  }
0x5a: {  	_ =	shalt  }
0x5b: {  	_ =	shalt  }
0x5c: {  	_ =	shalt  }
0x5d: {  	_ =	shalt  }
0x5e: {  	_ =	shalt  }
0x5f: {  	_ =	shalt  }
0x60: {  	_ =	shalt  }
0x61: {  	_ =	shalt  }
0x62: {  	_ =	shalt  }
0x63: {  	_ =	shalt  }
0x64: {  	_ =	shalt  }
0x65: {  	_ =	shalt  }
0x66: {  	_ =	shalt  }
0x67: {  	_ =	shalt  }
0x68: {  	_ =	shalt  }
0x69: {  	_ =	shalt  }
0x6a: {  	_ =	shalt  }
0x6b: {  	_ =	shalt  }
0x6c: {  	_ =	shalt  }
0x6d: {  	_ =	shalt  }
0x6e: {  	_ =	shalt  }
0x6f: {  	_ =	shalt  }
0x70: {  	_ =	shalt  }
0x71: {  	_ =	shalt  }
0x72: {  	_ =	shalt  }
0x73: {  	_ =	shalt  }
0x74: {  	_ =	shalt  }
0x75: {  	_ =	shalt  }
0x76: {  	_ =	shalt  }
0x77: {  	_ =	shalt  }
0x78: {  	_ =	shalt  }
0x79: {  	_ =	shalt  }
0x7a: {  	_ =	shalt  }
0x7b: {  	_ =	shalt  }
0x7c: {  	_ =	shalt  }
0x7d: {  	_ =	shalt  }
0x7e: {  	_ =	shalt  }
0x7f: {  	_ =	shalt  }
0x80: {  	_ =	shalt  }
0x81: {  	_ =	shalt  }
0x82: {  	_ =	shalt  }
0x83: {  	_ =	shalt  }
0x84: {  	_ =	shalt  }
0x85: {  	_ =	shalt  }
0x86: {  	_ =	shalt  }
0x87: {  	_ =	shalt  }
.Lfunc_end0:
.L_simem_size_0:
called_computation.2_lowered:
.L_overlay_start_0:
0x88: {  	s2 =	sld [smem:$0x3FD9]  }
0x89: {  	s3 =	sld [smem:$0x3FFE];
	_ =	sdelay $0x1  }
0x8a: {  	s1 =	srdreg.scid  }
0x8b: {  	s0 =	sand.u32 $0x1, s1  }
0x8c: {  	s16 =	sshll.u32 s0, $0xA;
	s2 =	sadd.s32 s3, s2  }
0x8d: {  	s2 =	sadd.s32 s2, s16  }
0x8e: {  	[smem:$0x3FBC] =	sst s2  }
0x8f: {  	_ = 	snop  }
0x90: {  	(tm) =	ssettm $0x1  }
0x91: {  	s17 =	sld [smem:$0x3FFB];
	_ =	sdelay $0x3  }
0x92: {  	_ =	strace s17  }
0x93: {  	s2 =	sld [smem:$0x3FFC];
	_ =	sdelay $0x3  }
0x94: {  	_ =	strace s2  }
0x95: {  	s2 =	sld [smem:$0x3FFD];
	_ =	sdelay $0x3  }
0x96: {  	_ =	strace s2  }
0x97: {  	_ =	strace $0x8FFFFFFF  }
0x98: {  	s18 =	sld [smem:$0x3FDB];
	_ =	sdelay $0x1  }
0x99: {  	s19 =	simm.s32 $_scs_section_size  }
0x9a: {  	s4 =	simm.s32 $_size__tile_overlayer_lowered;
	s5 =	simm.s32 $_tile_overlayer_lowered  }
0x9b: {  	s22 =	simm.s32 $0x1BFF;
	s21 =	sshll.u32 s5, $0x1;
	s2 =	sadd.s32 s19, s18  }
0x9c: {  	s6 =	simm.s32 $0x0;
	s20 =	sshll.u32 s4, $0x1;
	s4 =	sadd.s32 s21, s2  }
0x9d: {  	[timem:s6], [sflag:s22] =	dma.local [hbm:s4], s20  }
0x9e: {  	_ =	swait.ge [sflag:s22], s20  }
0x9f: {  	s3 =	ssub.s32 $0x0, s20;
	[sflag:s22] =	ssyncset.done $0x0  }
0xa0: {  	[sflag:s22] =	ssyncadd.s32 s3;
	_ =	sdelay $0x1  }
0xa1: {  	s23 =	simm.s32 $0x1B8B  }
0xa2: {  	_ =	swait.ge [sflag:s23], $0x1  }
0xa3: {  	[sflag:s23] =	ssyncset.done $0x0  }
0xa4: {  	s25 =	simm.s32 $0x1B8E;
	s24 =	sld [smem:$0x3FFE];
	[sflag:s23] =	ssyncadd.s32 $0xFFFFFFFF  }
0xa5: {  	s26 =	simm.s32 $execute0_lowered;
	[smem:$0x3FD2] =	sst s25  }
0xa6: {  	s4 =	sshll.u32 s26, $0x1;
	_ =	strace $0x8000004C;
	[dreg:$0x1] =	wrdreg $0xFFFFFFFF  }
0xa7: {  	s28 =	simm.s32 $_size_execute0_lowered;
	s2 =	sadd.s32 s2, s4;
	[dreg:$0x0] =	wrdreg $0x0  }
0xa8: {  	s4 =	sshll.u32 s28, $0x1;
	[dreg:$0x2] =	wrdreg s2  }
0xa9: {  	[dreg:$0x3] =	wrdreg s4  }
0xaa: {  	[dreg:$0x4] =	wrdreg $0xC0  }
0xab: {  	_ =	task [dreg:s6], $0x5FFFF  }
0xac: {  	[dreg:$0x1] =	wrdreg $0xFFFFFFFF  }
0xad: {  	[dreg:$0x0] =	wrdreg $0x60  }
0xae: {  	[dreg:$0x2] =	wrdreg s24  }
0xaf: {  	[dreg:$0x3] =	wrdreg $0x90000  }
0xb0: {  	[dreg:$0x4] =	wrdreg $0x9  }
0xb1: {  	_ =	task.clear_ibuf [dreg:s6], $0x5FFFF;
	_ =	strace $0x9000004C  }
0xb2: {  	s29 =	simm.s32 $0x9;
	_ =	strace $0x8000004E  }
0xb3: {  	_ =	swait.ge [sflag:s29], $0x1  }
0xb4: {  	[sflag:s29] =	ssyncadd.s32 $0xFFFFFFFF  }
0xb5: {  	_ =	strace $0x9000004E  }
0xb6: {  	_ =	sfence  }
0xb7: {  	s30 =	sld [smem:$0x0];
	_ =	sdelay $0x2  }
0xb8: {  	s31 =	sshll.u32 s1, $0xD;
	s1 =	sshrl.u32 s1, $0x2  }
0xb9: {  	s3 =	sand.u32 $0x4000, s31;
	s1 =	sadd.s32 s1, s30  }
0xba: {  	s0 =	sor.u32 s3, s0;
	s1 =	sshll.u32 s1, $0x11  }
0xbb: {  	s0 =	sor.u32 s1, s0  }
0xbc: {  	s0 =	sadd.s32 $0x8F2B, s0  }
0xbd: {  	[sflag:s0] =	ssyncadd.remote.s32 $0x1  }
0xbe: {  	_ =	sfence.sel $0xFFFF  }
0xbf: {  	[dreg:$0x0] =	wrdreg $0xFFFFFFFF;
	(pc) =	sbr.abs _section_cstart, $3  }
0xc0: {  	[dreg:$0x1] =	wrdreg $0xFFFFFFFF  }
0xc1: {  	_ =	task.clear_ibuf [dreg:s6], $0x2FFFF;
	_ =	strace $0x9FFFFFFF  }
0xc2: {  	(tm) =	ssettm $0x7FFFFFFF  }
0xc3: {  	_ =	shalt  }
tec
execute0_lowered:
.L_overlay_start_1:
0x0: {  	(tag) =	ssettag $0x1  }
0x1: {  	s7 =	rddreg [dreg:$0x0]  }
0x2: {  	s0 =	srdreg.scid;
	s2 =	rddreg [dreg:$0x1]  }
0x3: {  	s3 =	simm.s32 $0x0;
	s14 =	simm.s32 $0x80;
	s15 =	simm.s32 $0x5000  }
0x4: {  	s16 =	simm.s32 $0x1;
	s6 =	sand.u32 $0x1, s0;
	s0 =	stileid.u32  }
0x5: {  	s17 =	simm.s32 $0x0;
	[smem:$0x7FF] =	sst s3;
	s8 =	smul.u32 $0x140000, s6  }
0x6: {  	s4 =	sadd.s32 $0x18600, s7;
	s1 =	sshll.u32 s6, $0x4;
	s9 =	smul.u32 $0x14000, s0  }
0x7: {  	s28 =	smul.u32 $0x50000, s0;
	s6 =	ssub.s32 $0x2, s6;
	s1 =	sor.u32 s0, s1  }
0x8: {  	s31 =	sshll.u32 s0, $0x6;
	s29 =	sshrl.u32 s6, $0x1;
	s5 =	smul.u32 $0x500, s1  }
0x9: {  	s1 =	rddreg [dreg:$0x2];
	_ =	strace $0x8000004D;
	s8 =	sadd.s32 s9, s8  }
0xa: {  	s30 =	sshrl.u32 s28, $0x2;
	s12 =	ssub.s32 s6, s29;
	s6 =	sor.u32 $0x1C02, s31  }
0xb: {  	s8 =	sshrl.u32 s8, $0x3;
	s13 =	sadd.s32 s30, s2;
	s10 =	sadd.s32 s5, s7  }
0xc: {  	s5 =	sadd.s32 $0x40600, s7;
	s11 =	sadd.s32 s8, s7;
	s7 =	sadd.s32 $0x4600, s10  }
0xd: {  	s8 =	sadd.s32 $0xE600, s10;
	s9 =	sadd.s32 $0x42E00, s11;
	s10 =	smax.u32 s12, $0x1  }
0xe: {  	s11 =	sshrl.u32 s13, $0x3;
	s12 =	simm.s32 $0x2;
	s13 =	simm.s32 $0x2800  }
.LBB2_1:
0xf: {  	[spmem:s11], [sflag:s6] =	dma.local [hbm:s5], $0x2800  }
0x10: {  	_ =	swait.ge [sflag:s12], $0x2800  }
0x11: {  	[sflag:s12] =	ssyncset.done $0x0  }
0x12: {  	[sflag:s12] =	ssyncadd.s32 $0xFFFFD800  }
0x13: {  	[tilespmem:s3], [sflag:$0x2] =	stream.linear.gather [hbm4b:s7+s3], $0x2800, $0x38;
	[tilespmem:$0x1D000] =	vst v63  }
0x14: {  	_ =	swait.ge [sflag:s12], $0x2800  }
0x15: {  	[sflag:s12] =	ssyncset.done $0x0  }
0x16: {  	[sflag:s12] =	ssyncadd.s32 $0xFFFFD800  }
0x17: {  	[tilespmem:s13], [sflag:$0x2] =	stream.linear.gather [hbm4b:s8+s3], $0x2800, $0x38;
	[tilespmem:$0x1D000] =	vst v63  }
0x18: {  	_ =	swait.ge [sflag:s12], $0x2800  }
0x19: {  	[sflag:s12] =	ssyncset.done $0x0  }
0x1a: {  	[sflag:s12] =	ssyncadd.s32 $0xFFFFD800  }
0x1b: {  	s18 =	simm.s32 $0x0;
	[bflag:$0x0] =	sbarrier.arrive $0xFFFF  }
0x1c: {  	[tilespmem:s15], [sflag:$0x1] =	stream.indirect.gather [hbm4b:s4+s14], $0x80, s18, s14, $0xb8;
	[tilespmem:$0x1D000] =	vst v63  }
0x1d: {  	_ =	swait.ge [sflag:s16], $0x4000  }
0x1e: {  	[sflag:s16] =	ssyncset.done $0x0  }
0x1f: {  	s31 =	simm.s32 $0x2800;
	[sflag:s16] =	ssyncadd.s32 $0xFFFFC000  }
0x20: {  	[spmem:s2] =	stream.indirect.scatter.add.f32 [tilespmem:s15], [sflag:$0x2], $0x80, s31, s14, $0xb8;
	[tilespmem:$0x1D000] =	vst v63  }
0x21: {  	_ =	swait.ge [sflag:s12], $0x4000  }
0x22: {  	s19 =	simm.s32 $0x400;
	s18 =	simm.s32 $0x200;
	[sflag:s12] =	ssyncset.done $0x0  }
.LBB2_2:
0x23: {  	s20 =	sshra.s32 s18, $0x2  }
0x24: {  	[sflag:s12] =	ssyncadd.s32 $0xFFFFC000;
	s18 =	smov.u32 s19;
	s21 =	sadd.s32 $0x200, s19  }
0x25: {  	[tilespmem:s15], [sflag:$0x1] =	stream.indirect.gather [hbm4b:s4+s14], $0x80, s20, s14, $0xb8;
	[tilespmem:$0x1D000] =	vst v63  }
0x26: {  	p0 =	sne.s32 s19, $0x9E00;
	_ =	swait.ge [sflag:s16], $0x4000  }
.Ltmp0:
0x27: {  	[sflag:s16] =	ssyncset.done $0x0;
	(pc) =	sbr.rel @p0 .LBB2_2-.Ltmp0, $4  }
0x28: {  	s19 =	sadd.s32 $0x2800, s20;
	[sflag:s16] =	ssyncadd.s32 $0xFFFFC000  }
0x29: {  	[spmem:s2] =	stream.indirect.scatter.add.f32 [tilespmem:s15], [sflag:$0x2], $0x80, s19, s14, $0xb8;
	[tilespmem:$0x1D000] =	vst v63  }
0x2a: {  	_ =	swait.ge [sflag:s12], $0x4000  }
0x2b: {  	s19 =	smov.u32 s21;
	[sflag:s12] =	ssyncset.done $0x0  }
0x2c: {  	s18 =	sshra.s32 s18, $0x2;
	[sflag:s12] =	ssyncadd.s32 $0xFFFFC000  }
0x2d: {  	[tilespmem:s15], [sflag:$0x1] =	stream.indirect.gather [hbm4b:s4+s14], $0x80, s18, s14, $0xb8;
	[tilespmem:$0x1D000] =	vst v63  }
0x2e: {  	_ =	swait.ge [sflag:s16], $0x4000  }
0x2f: {  	[sflag:s16] =	ssyncset.done $0x0  }
0x30: {  	s18 =	sadd.s32 $0x2800, s18;
	[sflag:s16] =	ssyncadd.s32 $0xFFFFC000  }
0x31: {  	[spmem:s2] =	stream.indirect.scatter.add.f32 [tilespmem:s15], [sflag:$0x2], $0x80, s18, s14, $0xb8;
	[tilespmem:$0x1D000] =	vst v63  }
0x32: {  	_ =	swait.ge [sflag:s12], $0x4000  }
0x33: {  	s17 =	sadd.s32 $0x1, s17;
	[sflag:s12] =	ssyncset.done $0x0  }
0x34: {  	p0 =	sne.s32 s17, s10;
	[sflag:s12] =	ssyncadd.s32 $0xFFFFC000  }
.Ltmp1:
0x35: {  	[bflag:$0x0] =	sbarrier.arrive $0xFFFF;
	(pc) =	sbr.rel @p0 .LBB2_1-.Ltmp1, $4  }
0x36: {  	[hbm:s9], [sflag:s6] =	dma.local [spmem:s11], $0x2800  }
0x37: {  	_ =	swait.ge [sflag:s12], $0x2800  }
0x38: {  	[sflag:s12] =	ssyncset.done $0x0  }
0x39: {  	[sflag:s12] =	ssyncadd.s32 $0xFFFFD800  }
0x3a: {  	_ =	sfence.sel $0x180000  }
0x3b: {  	[bflag:$0x0] =	sbarrier.arrive $0xFFFF  }
0x3c: {  	p0 =	sne.s32 s0, $0x0;
	_ =	strace $0x9000004D  }
0x3d: {  	s0 =	sadd.s32 @!p0 $0x100000, s1;
	[bflag:$0x2] =	sbarrier.arrive $0xFFFF  }
0x3e: {  	[sflag:s0] =	ssyncadd.tile.s32 @!p0 $0x1;
	_ =	shalt  }
.Lfunc_end2:
_tile_overlayer_lowered:
.L_overlay_start_2:
0x3f: {  	(tag) =	ssettag $0x2  }
0x40: {  	s0 =	rddreg [dreg:$0x0];
	s2 =	stileid.u32  }
0x41: {  	s1 =	rddreg [dreg:$0x1];
	p0 =	sne.s32 s2, $0x0  }
0x42: {  	s3 =	rddreg [dreg:$0x2];
	[bflag:$0x3] =	sbarrier.arrive $0xFFFF;
	s2 =	simm.s32 @!p0 $0x1C02  }
0x43: {  	[timem:s3], [sflag:s2] =	dma.local @!p0 [hbm:s0], s1  }
0x44: {  	s0 =	simm.s32 @!p0 $0x2  }
0x45: {  	_ =	swait.ge @!p0 [sflag:s0], s1  }
0x46: {  	s1 =	ssub.s32 @!p0 $0x0, s1;
	[sflag:s0] =	ssyncset.done @!p0 $0x0  }
0x47: {  	[sflag:s0] =	ssyncadd.s32 @!p0 s1  }
0x48: {  	[bflag:$0x3] =	sbarrier.arrive $0xFFFF  }
0x49: {  	_ =	shalt  }

// kernel: kernel.20.cloned.1.call-start
scs
__scs_entry_jumppad:
0x0: {  	(pc) =	sbr.rel $0x88, $3  }
0x1: {  	(tag) =	ssettag $0x0;
	lr =	simm.s32 $0x1  }
0x2: {  	[smem:$0x3F95] =	sst lr;
	_ =	strace $0xD0000000  }
0x3: {  	_ = 	snop  }
0x4: {  	_ = 	snop  }
0x5: {  	_ = 	snop  }
0x6: {  	_ = 	snop  }
0x7: {  	_ = 	snop  }
__scs_overlays_trampoline_lowered:
0x8: {  	[smem:$0x3FA4] =	sst s0  }
0x9: {  	[smem:$0x3FA5] =	sst s1  }
0xa: {  	[smem:$0x3FA6] =	sst s2  }
0xb: {  	[smem:$0x3FA7] =	sst s3  }
0xc: {  	[smem:$0x3FA8] =	sst s4  }
0xd: {  	[smem:$0x3FA9] =	sst s5  }
0xe: {  	[smem:$0x3FAA] =	sst s6  }
0xf: {  	[smem:$0x3FAB] =	sst s7  }
0x10: {  	[smem:$0x3FAC] =	sst s8  }
0x11: {  	[smem:$0x3FAD] =	sst s9;
	s0 =	simm.s32 @!p0 $0x0  }
0x12: {  	s1 =	sld [smem:$0x3F93];
	s0 =	simm.s32 @p0 $0x1  }
0x13: {  	[smem:$0x3FAE] =	sst s0;
	s0 =	simm.s32 @!p1 $0x0  }
0x14: {  	s2 =	sld [smem:$0x3F92];
	s0 =	simm.s32 @p1 $0x1  }
0x15: {  	[smem:$0x3FAF] =	sst s0;
	s0 =	simm.s32 @!p2 $0x0  }
0x16: {  	s3 =	sld [smem:$0x3FDB];
	s0 =	simm.s32 @p2 $0x1  }
0x17: {  	s4 =	simm.s32 $0x1BF5;
	[smem:$0x3FB1] =	sst s0  }
0x18: {  	s0 =	sld [smem:$0x3F94];
	_ =	swait.ge [sflag:s4], $0x0  }
0x19: {  	s7 =	sld [smem:$0x3F95]  }
0x1a: {  	s8 =	sadd.s32 $0xFFFFE003, lr  }
0x1b: {  	s9 =	sadd.s32 $0xFFFFFEF7, lr;
	s5 =	simm.s32 $0xFFFFFFFF;
	p2 =	slt.u32 s8, $0xFFFFF086  }
0x1c: {  	p1 =	slt.u32 s9, $0xF7A;
	s5 =	simm.s32 @!p2 $0x0  }
0x1d: {  	s5 =	simm.s32 @p1 $0x1;
	p0 =	seq.s32 s7, s2  }
0x1e: {  	s7 =	smul.u32 @!p0 $0xF7A, s2;
	p2 =	seq.s32 @!p0 s5, $0x0  }
0x1f: {  	s9 =	smul.u32 $0xF7A, s1;
	s8 =	simm.s32 @!p0 $0x1BF5;
	p2 =	por !p2, p0  }
0x20: {  	[sflag:s8] =	ssyncset.s32 @!p0 $0xFFFFF086;
	s6 =	sadd.s32 @!p0 s3, s7;
	s7 =	simm.s32 @!p0 $0x108  }
0x21: {  	s3 =	sadd.s32 s3, s9;
	s6 =	sadd.s32 @!p0 $0x88, s6;
	s7 =	simm.s32 @p2 $0x1082  }
0x22: {  	[simem:s7], [sflag:s8] =	dma.local @!p0 [hbm:s6], $0xF7A  }
0x23: {  	s9 =	sor.u32 $0xD0000000, s2;
	s6 =	simm.s32 $0x108;
	_ =	swait.ge @!p0 [sflag:s8], $0x0  }
0x24: {  	s3 =	sadd.s32 $0x88, s3;
	s6 =	simm.s32 @!p1 $0x1082;
	[sflag:s4] =	ssyncset.s32 $0xFFFFF086  }
0x25: {  	[simem:s6], [sflag:s4] =	dma.local [hbm:s3], $0xF7A  }
0x26: {  	[smem:$0x3F95] =	sst s1;
	(tag) =	ssettag s2;
	_ =	strace s9  }
0x27: {  	s1 =	sld [smem:$0x3FA5]  }
0x28: {  	s2 =	sld [smem:$0x3FA6]  }
0x29: {  	s4 =	sld [smem:$0x3FA8]  }
0x2a: {  	p0 =	seq.s32 s5, $0x0;
	s5 =	sld [smem:$0x3FA9]  }
0x2b: {  	s6 =	sld [smem:$0x3FAA]  }
0x2c: {  	s7 =	sld [smem:$0x3FAB]  }
0x2d: {  	s3 =	simm.s32 $0x108;
	s8 =	sld [smem:$0x3FAC]  }
0x2e: {  	s3 =	simm.s32 @!p0 $0x1082;
	s9 =	sld [smem:$0x3FAD]  }
0x2f: {  	lr =	sadd.s32 s0, s3;
	s0 =	sld [smem:$0x3FA4]  }
0x30: {  	s3 =	sld [smem:$0x3FA7]  }
0x31: {  	[smem:$0x3FB0] =	sst s10  }
0x32: {  	s10 =	sld [smem:$0x3FAE];
	_ =	sdelay $0x3  }
0x33: {  	p0 =	seq.s32 s10, $0x1;
	s10 =	sld [smem:$0x3FB0];
	_ =	sdelay $0x3  }
0x34: {  	[smem:$0x3FB0] =	sst s10  }
0x35: {  	s10 =	sld [smem:$0x3FAF];
	_ =	sdelay $0x3  }
0x36: {  	p1 =	seq.s32 s10, $0x1;
	s10 =	sld [smem:$0x3FB0];
	_ =	sdelay $0x3  }
0x37: {  	[smem:$0x3FB0] =	sst s10  }
0x38: {  	s10 =	sld [smem:$0x3FB1]  }
0x39: {  	_ = 	snop;
	(pc) =	sbr.ind lr, $3  }
0x3a: {  	_ = 	snop  }
0x3b: {  	_ = 	snop  }
0x3c: {  	p2 =	seq.s32 s10, $0x1;
	s10 =	sld [smem:$0x3FB0]  }
0x3d: {  	_ =	shalt  }
0x3e: {  	_ =	shalt  }
0x3f: {  	_ =	shalt  }
0x40: {  	_ =	shalt  }
0x41: {  	_ =	shalt  }
0x42: {  	_ =	shalt  }
0x43: {  	_ =	shalt  }
0x44: {  	_ =	shalt  }
0x45: {  	_ =	shalt  }
0x46: {  	_ =	shalt  }
0x47: {  	_ =	shalt  }
0x48: {  	_ =	shalt  }
0x49: {  	_ =	shalt  }
0x4a: {  	_ =	shalt  }
0x4b: {  	_ =	shalt  }
0x4c: {  	_ =	shalt  }
0x4d: {  	_ =	shalt  }
0x4e: {  	_ =	shalt  }
0x4f: {  	_ =	shalt  }
0x50: {  	_ =	shalt  }
0x51: {  	_ =	shalt  }
0x52: {  	_ =	shalt  }
0x53: {  	_ =	shalt  }
0x54: {  	_ =	shalt  }
0x55: {  	_ =	shalt  }
0x56: {  	_ =	shalt  }
0x57: {  	_ =	shalt  }
0x58: {  	_ =	shalt  }
0x59: {  	_ =	shalt  }
0x5a: {  	_ =	shalt  }
0x5b: {  	_ =	shalt  }
0x5c: {  	_ =	shalt  }
0x5d: {  	_ =	shalt  }
0x5e: {  	_ =	shalt  }
0x5f: {  	_ =	shalt  }
0x60: {  	_ =	shalt  }
0x61: {  	_ =	shalt  }
0x62: {  	_ =	shalt  }
0x63: {  	_ =	shalt  }
0x64: {  	_ =	shalt  }
0x65: {  	_ =	shalt  }
0x66: {  	_ =	shalt  }
0x67: {  	_ =	shalt  }
0x68: {  	_ =	shalt  }
0x69: {  	_ =	shalt  }
0x6a: {  	_ =	shalt  }
0x6b: {  	_ =	shalt  }
0x6c: {  	_ =	shalt  }
0x6d: {  	_ =	shalt  }
0x6e: {  	_ =	shalt  }
0x6f: {  	_ =	shalt  }
0x70: {  	_ =	shalt  }
0x71: {  	_ =	shalt  }
0x72: {  	_ =	shalt  }
0x73: {  	_ =	shalt  }
0x74: {  	_ =	shalt  }
0x75: {  	_ =	shalt  }
0x76: {  	_ =	shalt  }
0x77: {  	_ =	shalt  }
0x78: {  	_ =	shalt  }
0x79: {  	_ =	shalt  }
0x7a: {  	_ =	shalt  }
0x7b: {  	_ =	shalt  }
0x7c: {  	_ =	shalt  }
0x7d: {  	_ =	shalt  }
0x7e: {  	_ =	shalt  }
0x7f: {  	_ =	shalt  }
0x80: {  	_ =	shalt  }
0x81: {  	_ =	shalt  }
0x82: {  	_ =	shalt  }
0x83: {  	_ =	shalt  }
0x84: {  	_ =	shalt  }
0x85: {  	_ =	shalt  }
0x86: {  	_ =	shalt  }
0x87: {  	_ =	shalt  }
.Lfunc_end0:
.L_simem_size_0:
called_computation.3_lowered:
.L_overlay_start_0:
0x88: {  	s2 =	sld [smem:$0x3FD9]  }
0x89: {  	s3 =	sld [smem:$0x3FFE];
	_ =	sdelay $0x1  }
0x8a: {  	s1 =	srdreg.scid  }
0x8b: {  	s0 =	sand.u32 $0x1, s1  }
0x8c: {  	s16 =	sshll.u32 s0, $0xA;
	s2 =	sadd.s32 s3, s2  }
0x8d: {  	s2 =	sadd.s32 s2, s16  }
0x8e: {  	[smem:$0x3FBC] =	sst s2  }
0x8f: {  	_ = 	snop  }
0x90: {  	(tm) =	ssettm $0x1  }
0x91: {  	s17 =	sld [smem:$0x3FFB];
	_ =	sdelay $0x3  }
0x92: {  	_ =	strace s17  }
0x93: {  	s2 =	sld [smem:$0x3FFC];
	_ =	sdelay $0x3  }
0x94: {  	_ =	strace s2  }
0x95: {  	s2 =	sld [smem:$0x3FFD];
	_ =	sdelay $0x3  }
0x96: {  	_ =	strace s2  }
0x97: {  	_ =	strace $0x8FFFFFFF  }
0x98: {  	s18 =	sld [smem:$0x3FDB];
	_ =	sdelay $0x1  }
0x99: {  	s19 =	simm.s32 $_scs_section_size  }
0x9a: {  	s4 =	simm.s32 $_size__tile_overlayer_lowered;
	s5 =	simm.s32 $_tile_overlayer_lowered  }
0x9b: {  	s22 =	simm.s32 $0x1BFF;
	s21 =	sshll.u32 s5, $0x1;
	s2 =	sadd.s32 s19, s18  }
0x9c: {  	s6 =	simm.s32 $0x0;
	s20 =	sshll.u32 s4, $0x1;
	s4 =	sadd.s32 s21, s2  }
0x9d: {  	[timem:s6], [sflag:s22] =	dma.local [hbm:s4], s20  }
0x9e: {  	_ =	swait.ge [sflag:s22], s20  }
0x9f: {  	s3 =	ssub.s32 $0x0, s20;
	[sflag:s22] =	ssyncset.done $0x0  }
0xa0: {  	[sflag:s22] =	ssyncadd.s32 s3;
	_ =	sdelay $0x1  }
0xa1: {  	s23 =	simm.s32 $0x1B8B  }
0xa2: {  	_ =	swait.ge [sflag:s23], $0x1  }
0xa3: {  	[sflag:s23] =	ssyncset.done $0x0  }
0xa4: {  	s25 =	simm.s32 $0x1B8E;
	s24 =	sld [smem:$0x3FFE];
	[sflag:s23] =	ssyncadd.s32 $0xFFFFFFFF  }
0xa5: {  	s26 =	simm.s32 $execute0_lowered;
	[smem:$0x3FD2] =	sst s25  }
0xa6: {  	s4 =	sshll.u32 s26, $0x1;
	_ =	strace $0x8000004F;
	[dreg:$0x1] =	wrdreg $0xFFFFFFFF  }
0xa7: {  	s28 =	simm.s32 $_size_execute0_lowered;
	s2 =	sadd.s32 s2, s4;
	[dreg:$0x0] =	wrdreg $0x0  }
0xa8: {  	s4 =	sshll.u32 s28, $0x1;
	[dreg:$0x2] =	wrdreg s2  }
0xa9: {  	[dreg:$0x3] =	wrdreg s4  }
0xaa: {  	[dreg:$0x4] =	wrdreg $0xC0  }
0xab: {  	_ =	task [dreg:s6], $0x5FFFF  }
0xac: {  	[dreg:$0x1] =	wrdreg $0xFFFFFFFF  }
0xad: {  	[dreg:$0x0] =	wrdreg $0x60  }
0xae: {  	[dreg:$0x2] =	wrdreg s24  }
0xaf: {  	[dreg:$0x3] =	wrdreg $0x90000  }
0xb0: {  	[dreg:$0x4] =	wrdreg $0x9  }
0xb1: {  	_ =	task.clear_ibuf [dreg:s6], $0x5FFFF;
	_ =	strace $0x9000004F  }
0xb2: {  	s29 =	simm.s32 $0x9;
	_ =	strace $0x80000051  }
0xb3: {  	_ =	swait.ge [sflag:s29], $0x1  }
0xb4: {  	[sflag:s29] =	ssyncadd.s32 $0xFFFFFFFF  }
0xb5: {  	_ =	strace $0x90000051  }
0xb6: {  	_ =	sfence  }
0xb7: {  	s30 =	sld [smem:$0x0];
	_ =	sdelay $0x2  }
0xb8: {  	s31 =	sshll.u32 s1, $0xD;
	s1 =	sshrl.u32 s1, $0x2  }
0xb9: {  	s3 =	sand.u32 $0x4000, s31;
	s1 =	sadd.s32 s1, s30  }
0xba: {  	s0 =	sor.u32 s3, s0;
	s1 =	sshll.u32 s1, $0x11  }
0xbb: {  	s0 =	sor.u32 s1, s0  }
0xbc: {  	s0 =	sadd.s32 $0x8F2B, s0  }
0xbd: {  	[sflag:s0] =	ssyncadd.remote.s32 $0x1  }
0xbe: {  	_ =	sfence.sel $0xFFFF  }
0xbf: {  	[dreg:$0x0] =	wrdreg $0xFFFFFFFF;
	(pc) =	sbr.abs _section_cstart, $3  }
0xc0: {  	[dreg:$0x1] =	wrdreg $0xFFFFFFFF  }
0xc1: {  	_ =	task.clear_ibuf [dreg:s6], $0x2FFFF;
	_ =	strace $0x9FFFFFFF  }
0xc2: {  	(tm) =	ssettm $0x7FFFFFFF  }
0xc3: {  	_ =	shalt  }
tec
execute0_lowered:
.L_overlay_start_1:
0x0: {  	(tag) =	ssettag $0x1  }
0x1: {  	s7 =	rddreg [dreg:$0x0]  }
0x2: {  	s0 =	srdreg.scid;
	s2 =	rddreg [dreg:$0x1]  }
0x3: {  	s3 =	simm.s32 $0x0;
	s14 =	simm.s32 $0x80;
	s15 =	simm.s32 $0x5000  }
0x4: {  	s16 =	simm.s32 $0x1;
	s6 =	sand.u32 $0x1, s0;
	s0 =	stileid.u32  }
0x5: {  	s17 =	simm.s32 $0x0;
	[smem:$0x7FF] =	sst s3;
	s8 =	smul.u32 $0x140000, s6  }
0x6: {  	s4 =	sadd.s32 $0x18600, s7;
	s1 =	sshll.u32 s6, $0x4;
	s9 =	smul.u32 $0x14000, s0  }
0x7: {  	s28 =	smul.u32 $0x50000, s0;
	s6 =	ssub.s32 $0x2, s6;
	s1 =	sor.u32 s0, s1  }
0x8: {  	s31 =	sshll.u32 s0, $0x6;
	s29 =	sshrl.u32 s6, $0x1;
	s5 =	smul.u32 $0x500, s1  }
0x9: {  	s1 =	rddreg [dreg:$0x2];
	_ =	strace $0x80000050;
	s8 =	sadd.s32 s9, s8  }
0xa: {  	s30 =	sshrl.u32 s28, $0x2;
	s12 =	ssub.s32 s6, s29;
	s6 =	sor.u32 $0x1C02, s31  }
0xb: {  	s8 =	sshrl.u32 s8, $0x3;
	s13 =	sadd.s32 s30, s2;
	s10 =	sadd.s32 s5, s7  }
0xc: {  	s5 =	sadd.s32 $0x40600, s7;
	s11 =	sadd.s32 s8, s7;
	s7 =	sadd.s32 $0x4600, s10  }
0xd: {  	s8 =	sadd.s32 $0xE600, s10;
	s9 =	sadd.s32 $0x42E00, s11;
	s10 =	smax.u32 s12, $0x1  }
0xe: {  	s11 =	sshrl.u32 s13, $0x3;
	s12 =	simm.s32 $0x2;
	s13 =	simm.s32 $0x2800  }
.LBB2_1:
0xf: {  	[spmem:s11], [sflag:s6] =	dma.local [hbm:s5], $0x2800  }
0x10: {  	_ =	swait.ge [sflag:s12], $0x2800  }
0x11: {  	[sflag:s12] =	ssyncset.done $0x0  }
0x12: {  	[sflag:s12] =	ssyncadd.s32 $0xFFFFD800  }
0x13: {  	[tilespmem:s3], [sflag:$0x2] =	stream.linear.gather [hbm4b:s7+s3], $0x2800, $0x38;
	[tilespmem:$0x1D000] =	vst v63  }
0x14: {  	_ =	swait.ge [sflag:s12], $0x2800  }
0x15: {  	[sflag:s12] =	ssyncset.done $0x0  }
0x16: {  	[sflag:s12] =	ssyncadd.s32 $0xFFFFD800  }
0x17: {  	[tilespmem:s13], [sflag:$0x2] =	stream.linear.gather [hbm4b:s8+s3], $0x2800, $0x38;
	[tilespmem:$0x1D000] =	vst v63  }
0x18: {  	_ =	swait.ge [sflag:s12], $0x2800  }
0x19: {  	[sflag:s12] =	ssyncset.done $0x0  }
0x1a: {  	[sflag:s12] =	ssyncadd.s32 $0xFFFFD800  }
0x1b: {  	s18 =	simm.s32 $0x0;
	[bflag:$0x0] =	sbarrier.arrive $0xFFFF  }
0x1c: {  	[tilespmem:s15], [sflag:$0x1] =	stream.indirect.gather [hbm4b:s4+s14], $0x80, s18, s14, $0xb8;
	[tilespmem:$0x1D000] =	vst v63  }
0x1d: {  	_ =	swait.ge [sflag:s16], $0x4000  }
0x1e: {  	[sflag:s16] =	ssyncset.done $0x0  }
0x1f: {  	s31 =	simm.s32 $0x2800;
	[sflag:s16] =	ssyncadd.s32 $0xFFFFC000  }
0x20: {  	[spmem:s2] =	stream.indirect.scatter.add.f32 [tilespmem:s15], [sflag:$0x2], $0x80, s31, s14, $0xb8;
	[tilespmem:$0x1D000] =	vst v63  }
0x21: {  	_ =	swait.ge [sflag:s12], $0x4000  }
0x22: {  	s19 =	simm.s32 $0x400;
	s18 =	simm.s32 $0x200;
	[sflag:s12] =	ssyncset.done $0x0  }
.LBB2_2:
0x23: {  	s20 =	sshra.s32 s18, $0x2  }
0x24: {  	[sflag:s12] =	ssyncadd.s32 $0xFFFFC000;
	s18 =	smov.u32 s19;
	s21 =	sadd.s32 $0x200, s19  }
0x25: {  	[tilespmem:s15], [sflag:$0x1] =	stream.indirect.gather [hbm4b:s4+s14], $0x80, s20, s14, $0xb8;
	[tilespmem:$0x1D000] =	vst v63  }
0x26: {  	p0 =	sne.s32 s19, $0x9E00;
	_ =	swait.ge [sflag:s16], $0x4000  }
.Ltmp0:
0x27: {  	[sflag:s16] =	ssyncset.done $0x0;
	(pc) =	sbr.rel @p0 .LBB2_2-.Ltmp0, $4  }
0x28: {  	s19 =	sadd.s32 $0x2800, s20;
	[sflag:s16] =	ssyncadd.s32 $0xFFFFC000  }
0x29: {  	[spmem:s2] =	stream.indirect.scatter.add.f32 [tilespmem:s15], [sflag:$0x2], $0x80, s19, s14, $0xb8;
	[tilespmem:$0x1D000] =	vst v63  }
0x2a: {  	_ =	swait.ge [sflag:s12], $0x4000  }
0x2b: {  	s19 =	smov.u32 s21;
	[sflag:s12] =	ssyncset.done $0x0  }
0x2c: {  	s18 =	sshra.s32 s18, $0x2;
	[sflag:s12] =	ssyncadd.s32 $0xFFFFC000  }
0x2d: {  	[tilespmem:s15], [sflag:$0x1] =	stream.indirect.gather [hbm4b:s4+s14], $0x80, s18, s14, $0xb8;
	[tilespmem:$0x1D000] =	vst v63  }
0x2e: {  	_ =	swait.ge [sflag:s16], $0x4000  }
0x2f: {  	[sflag:s16] =	ssyncset.done $0x0  }
0x30: {  	s18 =	sadd.s32 $0x2800, s18;
	[sflag:s16] =	ssyncadd.s32 $0xFFFFC000  }
0x31: {  	[spmem:s2] =	stream.indirect.scatter.add.f32 [tilespmem:s15], [sflag:$0x2], $0x80, s18, s14, $0xb8;
	[tilespmem:$0x1D000] =	vst v63  }
0x32: {  	_ =	swait.ge [sflag:s12], $0x4000  }
0x33: {  	s17 =	sadd.s32 $0x1, s17;
	[sflag:s12] =	ssyncset.done $0x0  }
0x34: {  	p0 =	sne.s32 s17, s10;
	[sflag:s12] =	ssyncadd.s32 $0xFFFFC000  }
.Ltmp1:
0x35: {  	[bflag:$0x0] =	sbarrier.arrive $0xFFFF;
	(pc) =	sbr.rel @p0 .LBB2_1-.Ltmp1, $4  }
0x36: {  	[hbm:s9], [sflag:s6] =	dma.local [spmem:s11], $0x2800  }
0x37: {  	_ =	swait.ge [sflag:s12], $0x2800  }
0x38: {  	[sflag:s12] =	ssyncset.done $0x0  }
0x39: {  	[sflag:s12] =	ssyncadd.s32 $0xFFFFD800  }
0x3a: {  	_ =	sfence.sel $0x180000  }
0x3b: {  	[bflag:$0x0] =	sbarrier.arrive $0xFFFF  }
0x3c: {  	p0 =	sne.s32 s0, $0x0;
	_ =	strace $0x90000050  }
0x3d: {  	s0 =	sadd.s32 @!p0 $0x100000, s1;
	[bflag:$0x2] =	sbarrier.arrive $0xFFFF  }
0x3e: {  	[sflag:s0] =	ssyncadd.tile.s32 @!p0 $0x1;
	_ =	shalt  }
.Lfunc_end2:
_tile_overlayer_lowered:
.L_overlay_start_2:
0x3f: {  	(tag) =	ssettag $0x2  }
0x40: {  	s0 =	rddreg [dreg:$0x0];
	s2 =	stileid.u32  }
0x41: {  	s1 =	rddreg [dreg:$0x1];
	p0 =	sne.s32 s2, $0x0  }
0x42: {  	s3 =	rddreg [dreg:$0x2];
	[bflag:$0x3] =	sbarrier.arrive $0xFFFF;
	s2 =	simm.s32 @!p0 $0x1C02  }
0x43: {  	[timem:s3], [sflag:s2] =	dma.local @!p0 [hbm:s0], s1  }
0x44: {  	s0 =	simm.s32 @!p0 $0x2  }
0x45: {  	_ =	swait.ge @!p0 [sflag:s0], s1  }
0x46: {  	s1 =	ssub.s32 @!p0 $0x0, s1;
	[sflag:s0] =	ssyncset.done @!p0 $0x0  }
0x47: {  	[sflag:s0] =	ssyncadd.s32 @!p0 s1  }
0x48: {  	[bflag:$0x3] =	sbarrier.arrive $0xFFFF  }
0x49: {  	_ =	shalt  }

</sc_bundles>
